<compile_context>
chip_gen: v7x
topology: tpu7x:2x2x1
jax: 0.10.2.dev20260603
libtpu: 0.0.44.dev20260713+nightly
codegen_flags: <defaults>
</compile_context>

<pallas_src>
import functools

import jax
import jax.numpy as jnp
from jax import lax
from jax.experimental import pallas as pl
from jax.experimental.pallas import tpu as pltpu
from jax.experimental.pallas import tpu_sc as plsc

B = 4096
F = 26
EMB = 16
TOTAL = 2600000
NC = 2
NS = 16
NW = NC * NS
BPW = B // NW
RPW = BPW * F
CH = 128
NCH = RPW // CH
HALF = NCH // 2
RH = HALF * CH
SPH = RH // F
LANES = 16

BT = 8192
GRID_T = (TOTAL + BT - 1) // BT

_mesh = plsc.VectorSubcoreMesh(core_axis_name="c", subcore_axis_name="s")


def _tp_body(vt_ref, out_ref):
    lane = lax.broadcasted_iota(jnp.int32, (EMB, 8 * EMB), 1)
    row = lax.broadcasted_iota(jnp.int32, (EMB, 8 * EMB), 0)
    eye128 = jnp.float32(1.0) * (lax.rem(lane, EMB) == row)
    t128 = lax.dot_general(
        vt_ref[...], eye128, (((0,), (0,)), ((), ())),
        preferred_element_type=jnp.float32)
    t3 = t128.reshape(BT // 8, 8, 8 * EMB)
    acc = jnp.zeros((BT // 8, 8 * EMB), jnp.float32)
    lane2 = lax.broadcasted_iota(jnp.int32, (BT // 8, 8 * EMB), 1)
    for s in range(8):
        acc = jnp.where(lane2 // EMB == s, t3[:, s, :], acc)
    out_ref[...] = acc


_transpose = pl.pallas_call(
    _tp_body,
    grid=(GRID_T,),
    in_specs=[pl.BlockSpec((EMB, BT), lambda g: (0, g))],
    out_specs=pl.BlockSpec((BT // 8, 8 * EMB), lambda g: (g, 0)),
    out_shape=jax.ShapeDtypeStruct((TOTAL // 8, 8 * EMB), jnp.float32),
)


@functools.partial(
    pl.kernel,
    out_type=jax.ShapeDtypeStruct((B,), jnp.float32),
    mesh=_mesh,
    compiler_params=pltpu.CompilerParams(
        needs_layout_passes=False, use_tc_tiling_on_sc=False),
    scratch_types=[
        pltpu.VMEM((RPW,), jnp.int32),
        pltpu.VMEM((RPW, EMB), jnp.float32),
        pltpu.VMEM((RPW,), jnp.float32),
        pltpu.VMEM((BPW, LANES), jnp.float32),
        pltpu.VMEM((BPW,), jnp.float32),
        pltpu.SemaphoreType.DMA,
        pltpu.SemaphoreType.DMA,
        pltpu.SemaphoreType.DMA,
        pltpu.SemaphoreType.DMA,
    ],
)
def _fm_sc(x_hbm, w_hbm, v_hbm, out_hbm,
           idx_v, rows_v, w_v, part_v, out_v, sem_v0, sem_v1, sem_w0, sem_w1):
    wid = lax.axis_index("s") * NC + lax.axis_index("c")
    base = wid * RPW

    pltpu.sync_copy(x_hbm.at[pl.ds(base, RPW)], idx_v)

    def fire(j, sem_v, sem_w):
        off = j * CH
        idx_c = idx_v.at[pl.ds(off, CH)]
        pltpu.async_copy(v_hbm.at[idx_c], rows_v.at[pl.ds(off, CH)], sem_v)
        pltpu.async_copy(w_hbm.at[idx_c], w_v.at[pl.ds(off, CH)], sem_w)

    lax.fori_loop(0, HALF, lambda j, _: (fire(j, sem_v0, sem_w0), 0)[1], 0)
    lax.fori_loop(HALF, NCH, lambda j, _: (fire(j, sem_v1, sem_w1), 0)[1], 0)

    def drain(sem_v, sem_w):
        pltpu.make_async_copy(
            v_hbm.at[pl.ds(0, RH)], rows_v.at[pl.ds(0, RH)], sem_v).wait()
        pltpu.make_async_copy(
            w_hbm.at[pl.ds(0, RH)], w_v.at[pl.ds(0, RH)], sem_w).wait()

    lane = lax.iota(jnp.int32, LANES)

    def sample_body(s, carry):
        rbase = s * F
        r = rows_v[rbase]
        acc_s = r
        acc_q = r * r
        for i in range(1, F):
            r = rows_v[rbase + i]
            acc_s = acc_s + r
            acc_q = acc_q + r * r
        part_v[s] = acc_s * acc_s - acc_q
        return carry

    drain(sem_v0, sem_w0)
    lax.fori_loop(0, SPH, sample_body, 0)
    drain(sem_v1, sem_w1)
    lax.fori_loop(SPH, BPW, sample_body, 0)

    def block_body(b, carry):
        blk = b * LANES
        row = blk + lane
        acc = jnp.zeros((LANES,), jnp.float32)
        for e in range(LANES):
            acc = acc + plsc.load_gather(
                part_v, [row, jnp.full((LANES,), e, jnp.int32)])
        lin = jnp.zeros((LANES,), jnp.float32)
        for i in range(F):
            lin = lin + plsc.load_gather(w_v, [row * F + i])
        out_v[pl.ds(blk, LANES)] = 0.5 * acc + lin
        return carry

    lax.fori_loop(0, BPW // LANES, block_body, 0)

    pltpu.sync_copy(out_v, out_hbm.at[pl.ds(wid * BPW, BPW)])


def kernel(x, linear_w, linear_b, v):
    v_rm = _transpose(v.T)
    out = _fm_sc(x.reshape(B * F), linear_w, v_rm.reshape(TOTAL, EMB))
    return out.reshape(B, 1) + linear_b

# --- scband reference (transcript-rebuilt; emitter-appended) ---
"""Pipeline reference for scband-fm-68582037782806 (READ-ONLY COPY).

The authoritative reference and input builder live on the scoring server;
editing this copy changes nothing except your own understanding.
"""

import jax, jax.numpy as jnp
import numpy as np

B = 4096
F = 26
VOCAB_PER_FIELD = 100000
TOTAL = F * VOCAB_PER_FIELD
EMB = 16


def setup_inputs(seed: int = 0) -> dict:
    key = jax.random.key(seed)
    k1, k2, k3 = jax.random.split(key, 3)
    # forward takes x with size(1) != sum(feature_dims.values()) -> sparse index path
    x = jax.random.randint(k1, (B, F), 0, TOTAL, dtype=jnp.int32)
    # linear layer on sum(feature_dims) inputs -> weight [1, TOTAL], squeezed to [TOTAL]
    bound = float(np.sqrt(6.0 / (TOTAL + 1)))  # xavier_uniform for [1, TOTAL]
    linear_w = jax.random.uniform(k2, (TOTAL,), minval=-bound, maxval=bound, dtype=jnp.float32)
    linear_b = jnp.zeros((1,), dtype=jnp.float32)
    bound_v = float(np.sqrt(6.0 / (TOTAL + EMB)))  # xavier_uniform for v [TOTAL, EMB]
    v = jax.random.uniform(k3, (TOTAL, EMB), minval=-bound_v, maxval=bound_v, dtype=jnp.float32)
    return {"x": x, "linear_w": linear_w, "linear_b": linear_b, "v": v}


def reference(x, linear_w, linear_b, v):
    # Sparse-index FM path (x holds global row indices into linear_w / v).
    # linear_part = sum_i linear_weights[x[:, i]] + bias
    gathered_w = jnp.take(linear_w, x, axis=0)            # [B, F]
    linear_part = jnp.sum(gathered_w, axis=1, keepdims=True) + linear_b  # [B, 1]
    # embeddings per field: v[x[:, i]] -> stacked [B, F, EMB]
    emb = jnp.take(v, x, axis=0)                          # [B, F, EMB]
    embeddings_sum = jnp.sum(emb, axis=1)                 # [B, EMB]
    square_of_sum = jnp.square(embeddings_sum)            # [B, EMB]
    sum_of_square = jnp.sum(jnp.square(emb), axis=1)      # [B, EMB]
    interaction_part = 0.5 * jnp.sum(square_of_sum - sum_of_square, axis=1, keepdims=True)
    return linear_part + interaction_part                 # [B, 1]

if __name__ == "__main__":
    import jax
    _d = setup_inputs()
    print(jax.jit(kernel)(*tuple(_d.values())))

</pallas_src>

<mosaic_0001>
#map = affine_map<(d0, d1) -> (0)>
#map1 = affine_map<(d0, d1) -> (0, 0)>
module attributes {stable_mosaic.version = 14 : i64} {
  func.func @_fm_sc(%arg0: i32, %arg1: i32, %arg2: memref<106496xi32, #tpu.memory_space<hbm>>, %arg3: memref<2600000xf32, #tpu.memory_space<hbm>>, %arg4: memref<2600000x16xf32, #tpu.memory_space<hbm>>, %arg5: memref<4096xf32, #tpu.memory_space<hbm>>, %arg6: memref<3328xi32, #tpu.memory_space<vmem>>, %arg7: memref<3328x16xf32, #tpu.memory_space<vmem>>, %arg8: memref<3328xf32, #tpu.memory_space<vmem>>, %arg9: memref<128x16xf32, #tpu.memory_space<vmem>>, %arg10: memref<128xf32, #tpu.memory_space<vmem>>, %arg11: memref<!tpu.dma_semaphore, #tpu.memory_space<semaphore_mem>>, %arg12: memref<!tpu.dma_semaphore, #tpu.memory_space<semaphore_mem>>, %arg13: memref<!tpu.dma_semaphore, #tpu.memory_space<semaphore_mem>>, %arg14: memref<!tpu.dma_semaphore, #tpu.memory_space<semaphore_mem>>) attributes {dimension_semantics = [#tpu.dimension_semantics<core_parallel>, #tpu.dimension_semantics<subcore_parallel>], iteration_bounds = array<i64: 2, 16>, scalar_prefetch = 0 : i64, scratch_operands = 9 : i64, tpu.core_type = #tpu.core_type<sc_vector_subcore>, window_params = [{transform_indices = #map}, {transform_indices = #map}, {transform_indices = #map1}, {transform_indices = #map}]} {
    %mul3A = arith.constant 2 : i32
    %mul3A_0 = arith.muli %arg1, %mul3A : i32
    %add3A = arith.addi %mul3A_0, %arg0 : i32
    %mul3A_1 = arith.constant 3328 : i32
    %mul3A_2 = arith.muli %add3A, %mul3A_1 : i32
    "tpu.region"() ({
      %run_scoped3A = tpu.sem_alloc : memref<!tpu.dma_semaphore, #tpu.memory_space<semaphore_mem>>
      %dma_start3A = tpu.memref_slice %arg2[%mul3A_2] : memref<106496xi32, #tpu.memory_space<hbm>> -> memref<3328xi32, #tpu.memory_space<hbm>>
      %dma_start3A_75 = tpu.memref_slice %arg2[%mul3A_2] : memref<106496xi32, #tpu.memory_space<hbm>> -> memref<3328xi32, #tpu.memory_space<hbm>>
      tpu.enqueue_dma source(%dma_start3A_75 : memref<3328xi32, #tpu.memory_space<hbm>>) target(%arg6 : memref<3328xi32, #tpu.memory_space<vmem>>) target_semaphore(%run_scoped3A : memref<!tpu.dma_semaphore, #tpu.memory_space<semaphore_mem>>)
      %dma_wait3A_76 = tpu.memref_slice %arg2[%mul3A_2] : memref<106496xi32, #tpu.memory_space<hbm>> -> memref<3328xi32, #tpu.memory_space<hbm>>
      %dma_wait3A_77 = tpu.memref_slice %arg2[%mul3A_2] : memref<106496xi32, #tpu.memory_space<hbm>> -> memref<3328xi32, #tpu.memory_space<hbm>>
      tpu.wait_dma2 semaphore(%run_scoped3A : memref<!tpu.dma_semaphore, #tpu.memory_space<semaphore_mem>>) src(%dma_wait3A_77 : memref<3328xi32, #tpu.memory_space<hbm>>) dst(%arg6 : memref<3328xi32, #tpu.memory_space<vmem>>)
      tpu.yield
    }) : () -> ()
    %scan3A = arith.constant 0 : i32
    %scan3A_3 = arith.constant 0 : i32
    %scan3A_4 = arith.constant 13 : i32
    %scan3A_5 = arith.addi %scan3A_3, %scan3A_4 : i32
    %scan3A_6 = arith.constant 1 : i32
    %scan3A_7 = scf.for %scan3A_75 = %scan3A_3 to %scan3A_5 step %scan3A_6 iter_args(%scan3A_76 = %scan3A) -> (i32)  : i32 {
      %mul3A_77 = arith.constant 128 : i32
      %mul3A_78 = arith.muli %scan3A_75, %mul3A_77 : i32
      %dma_start3A = arith.constant 0 : i32
      %dma_start3A_79 = tpu.memref_slice %arg7[%mul3A_78, %dma_start3A] : memref<3328x16xf32, #tpu.memory_space<vmem>> -> memref<128x16xf32, #tpu.memory_space<vmem>>
      %dma_start3A_80 = tpu.memref_slice %arg6[%mul3A_78] : memref<3328xi32, #tpu.memory_space<vmem>> -> memref<128xi32, #tpu.memory_space<vmem>>
      %dma_start3A_81 = arith.constant 0 : i32
      %dma_start3A_82 = arith.constant 0 : i32
      %dma_start3A_83 = tpu.memref_slice %arg4[%dma_start3A_81, %dma_start3A_82] : memref<2600000x16xf32, #tpu.memory_space<hbm>> -> memref<2600000x16xf32, #tpu.memory_space<hbm>>
      tpu.enqueue_indirect_dma source(%dma_start3A_83 : memref<2600000x16xf32, #tpu.memory_space<hbm>>) target(%dma_start3A_79 : memref<128x16xf32, #tpu.memory_space<vmem>>) offsets(%dma_start3A_80 : memref<128xi32, #tpu.memory_space<vmem>>) semaphore(%arg11 : memref<!tpu.dma_semaphore, #tpu.memory_space<semaphore_mem>>)
      %dma_start3A_84 = tpu.memref_slice %arg8[%mul3A_78] : memref<3328xf32, #tpu.memory_space<vmem>> -> memref<128xf32, #tpu.memory_space<vmem>>
      %dma_start3A_85 = tpu.memref_slice %arg6[%mul3A_78] : memref<3328xi32, #tpu.memory_space<vmem>> -> memref<128xi32, #tpu.memory_space<vmem>>
      %dma_start3A_86 = arith.constant 0 : i32
      %dma_start3A_87 = tpu.memref_slice %arg3[%dma_start3A_86] : memref<2600000xf32, #tpu.memory_space<hbm>> -> memref<2600000xf32, #tpu.memory_space<hbm>>
      tpu.enqueue_indirect_dma source(%dma_start3A_87 : memref<2600000xf32, #tpu.memory_space<hbm>>) target(%dma_start3A_84 : memref<128xf32, #tpu.memory_space<vmem>>) offsets(%dma_start3A_85 : memref<128xi32, #tpu.memory_space<vmem>>) semaphore(%arg13 : memref<!tpu.dma_semaphore, #tpu.memory_space<semaphore_mem>>)
      %scan3A_88 = arith.constant 0 : i32
      scf.yield %scan3A_88 : i32
    }
    %scan3A_8 = arith.constant 13 : i32
    %scan3A_9 = arith.constant 0 : i32
    %scan3A_10 = arith.constant 13 : i32
    %scan3A_11 = arith.constant 13 : i32
    %scan3A_12 = arith.addi %scan3A_10, %scan3A_11 : i32
    %scan3A_13 = arith.constant 1 : i32
    %scan3A_14 = scf.for %scan3A_75 = %scan3A_10 to %scan3A_12 step %scan3A_13 iter_args(%scan3A_76 = %scan3A_9) -> (i32)  : i32 {
      %mul3A_77 = arith.constant 128 : i32
      %mul3A_78 = arith.muli %scan3A_75, %mul3A_77 : i32
      %dma_start3A = arith.constant 0 : i32
      %dma_start3A_79 = tpu.memref_slice %arg7[%mul3A_78, %dma_start3A] : memref<3328x16xf32, #tpu.memory_space<vmem>> -> memref<128x16xf32, #tpu.memory_space<vmem>>
      %dma_start3A_80 = tpu.memref_slice %arg6[%mul3A_78] : memref<3328xi32, #tpu.memory_space<vmem>> -> memref<128xi32, #tpu.memory_space<vmem>>
      %dma_start3A_81 = arith.constant 0 : i32
      %dma_start3A_82 = arith.constant 0 : i32
      %dma_start3A_83 = tpu.memref_slice %arg4[%dma_start3A_81, %dma_start3A_82] : memref<2600000x16xf32, #tpu.memory_space<hbm>> -> memref<2600000x16xf32, #tpu.memory_space<hbm>>
      tpu.enqueue_indirect_dma source(%dma_start3A_83 : memref<2600000x16xf32, #tpu.memory_space<hbm>>) target(%dma_start3A_79 : memref<128x16xf32, #tpu.memory_space<vmem>>) offsets(%dma_start3A_80 : memref<128xi32, #tpu.memory_space<vmem>>) semaphore(%arg12 : memref<!tpu.dma_semaphore, #tpu.memory_space<semaphore_mem>>)
      %dma_start3A_84 = tpu.memref_slice %arg8[%mul3A_78] : memref<3328xf32, #tpu.memory_space<vmem>> -> memref<128xf32, #tpu.memory_space<vmem>>
      %dma_start3A_85 = tpu.memref_slice %arg6[%mul3A_78] : memref<3328xi32, #tpu.memory_space<vmem>> -> memref<128xi32, #tpu.memory_space<vmem>>
      %dma_start3A_86 = arith.constant 0 : i32
      %dma_start3A_87 = tpu.memref_slice %arg3[%dma_start3A_86] : memref<2600000xf32, #tpu.memory_space<hbm>> -> memref<2600000xf32, #tpu.memory_space<hbm>>
      tpu.enqueue_indirect_dma source(%dma_start3A_87 : memref<2600000xf32, #tpu.memory_space<hbm>>) target(%dma_start3A_84 : memref<128xf32, #tpu.memory_space<vmem>>) offsets(%dma_start3A_85 : memref<128xi32, #tpu.memory_space<vmem>>) semaphore(%arg14 : memref<!tpu.dma_semaphore, #tpu.memory_space<semaphore_mem>>)
      %scan3A_88 = arith.constant 0 : i32
      scf.yield %scan3A_88 : i32
    }
    %scan3A_15 = arith.constant 13 : i32
    %iota3A = tpu.iota {dimensions = array<i32: 0>} : vector<16xi32>
    %dma_wait3A = arith.constant 0 : i32
    %dma_wait3A_16 = arith.constant 0 : i32
    %dma_wait3A_17 = tpu.memref_slice %arg7[%dma_wait3A, %dma_wait3A_16] : memref<3328x16xf32, #tpu.memory_space<vmem>> -> memref<1664x16xf32, #tpu.memory_space<vmem>>
    %dma_wait3A_18 = arith.constant 0 : i32
    %dma_wait3A_19 = arith.constant 0 : i32
    %dma_wait3A_20 = tpu.memref_slice %arg4[%dma_wait3A_18, %dma_wait3A_19] : memref<2600000x16xf32, #tpu.memory_space<hbm>> -> memref<1664x16xf32, #tpu.memory_space<hbm>>
    %dma_wait3A_21 = arith.constant 0 : i32
    %dma_wait3A_22 = arith.constant 0 : i32
    %dma_wait3A_23 = tpu.memref_slice %arg7[%dma_wait3A_21, %dma_wait3A_22] : memref<3328x16xf32, #tpu.memory_space<vmem>> -> memref<1664x16xf32, #tpu.memory_space<vmem>>
    %dma_wait3A_24 = arith.constant 0 : i32
    %dma_wait3A_25 = arith.constant 0 : i32
    %dma_wait3A_26 = tpu.memref_slice %arg4[%dma_wait3A_24, %dma_wait3A_25] : memref<2600000x16xf32, #tpu.memory_space<hbm>> -> memref<1664x16xf32, #tpu.memory_space<hbm>>
    tpu.wait_dma2 semaphore(%arg11 : memref<!tpu.dma_semaphore, #tpu.memory_space<semaphore_mem>>) src(%dma_wait3A_26 : memref<1664x16xf32, #tpu.memory_space<hbm>>) dst(%dma_wait3A_23 : memref<1664x16xf32, #tpu.memory_space<vmem>>)
    %dma_wait3A_27 = arith.constant 0 : i32
    %dma_wait3A_28 = tpu.memref_slice %arg8[%dma_wait3A_27] : memref<3328xf32, #tpu.memory_space<vmem>> -> memref<1664xf32, #tpu.memory_space<vmem>>
    %dma_wait3A_29 = arith.constant 0 : i32
    %dma_wait3A_30 = tpu.memref_slice %arg3[%dma_wait3A_29] : memref<2600000xf32, #tpu.memory_space<hbm>> -> memref<1664xf32, #tpu.memory_space<hbm>>
    %dma_wait3A_31 = arith.constant 0 : i32
    %dma_wait3A_32 = tpu.memref_slice %arg8[%dma_wait3A_31] : memref<3328xf32, #tpu.memory_space<vmem>> -> memref<1664xf32, #tpu.memory_space<vmem>>
    %dma_wait3A_33 = arith.constant 0 : i32
    %dma_wait3A_34 = tpu.memref_slice %arg3[%dma_wait3A_33] : memref<2600000xf32, #tpu.memory_space<hbm>> -> memref<1664xf32, #tpu.memory_space<hbm>>
    tpu.wait_dma2 semaphore(%arg13 : memref<!tpu.dma_semaphore, #tpu.memory_space<semaphore_mem>>) src(%dma_wait3A_34 : memref<1664xf32, #tpu.memory_space<hbm>>) dst(%dma_wait3A_32 : memref<1664xf32, #tpu.memory_space<vmem>>)
    %scan3A_35 = arith.constant 0 : i32
    %scan3A_36 = arith.constant 0 : i32
    %scan3A_37 = arith.constant 64 : i32
    %scan3A_38 = arith.addi %scan3A_36, %scan3A_37 : i32
    %scan3A_39 = arith.constant 1 : i32
    scf.for %scan3A_75 = %scan3A_36 to %scan3A_38 step %scan3A_39  : i32 {
      %mul3A_76 = arith.constant 26 : i32
      %mul3A_77 = arith.muli %scan3A_75, %mul3A_76 : i32
      %get3A = arith.index_cast %mul3A_77 : i32 to index
      %get3A_78 = arith.constant 0 : index
      %get3A_79 = tpu.vector_load %arg7[%get3A, %get3A_78] {strides = array<i32>} : memref<3328x16xf32, #tpu.memory_space<vmem>>, vector<16xf32>,
      %mul3A_80 = arith.mulf %get3A_79, %get3A_79 : vector<16xf32>
      %add3A_81 = arith.constant 1 : i32
      %add3A_82 = arith.addi %mul3A_77, %add3A_81 : i32
      %get3A_83 = arith.index_cast %add3A_82 : i32 to index
      %get3A_84 = arith.constant 0 : index
      %get3A_85 = tpu.vector_load %arg7[%get3A_83, %get3A_84] {strides = array<i32>} : memref<3328x16xf32, #tpu.memory_space<vmem>>, vector<16xf32>,
      %add3A_86 = arith.addf %get3A_79, %get3A_85 : vector<16xf32>
      %mul3A_87 = arith.mulf %get3A_85, %get3A_85 : vector<16xf32>
      %add3A_88 = arith.addf %mul3A_80, %mul3A_87 : vector<16xf32>
      %add3A_89 = arith.constant 2 : i32
      %add3A_90 = arith.addi %mul3A_77, %add3A_89 : i32
      %get3A_91 = arith.index_cast %add3A_90 : i32 to index
      %get3A_92 = arith.constant 0 : index
      %get3A_93 = tpu.vector_load %arg7[%get3A_91, %get3A_92] {strides = array<i32>} : memref<3328x16xf32, #tpu.memory_space<vmem>>, vector<16xf32>,
      %add3A_94 = arith.addf %add3A_86, %get3A_93 : vector<16xf32>
      %mul3A_95 = arith.mulf %get3A_93, %get3A_93 : vector<16xf32>
      %add3A_96 = arith.addf %add3A_88, %mul3A_95 : vector<16xf32>
      %add3A_97 = arith.constant 3 : i32
      %add3A_98 = arith.addi %mul3A_77, %add3A_97 : i32
      %get3A_99 = arith.index_cast %add3A_98 : i32 to index
      %get3A_100 = arith.constant 0 : index
      %get3A_101 = tpu.vector_load %arg7[%get3A_99, %get3A_100] {strides = array<i32>} : memref<3328x16xf32, #tpu.memory_space<vmem>>, vector<16xf32>,
      %add3A_102 = arith.addf %add3A_94, %get3A_101 : vector<16xf32>
      %mul3A_103 = arith.mulf %get3A_101, %get3A_101 : vector<16xf32>
      %add3A_104 = arith.addf %add3A_96, %mul3A_103 : vector<16xf32>
      %add3A_105 = arith.constant 4 : i32
      %add3A_106 = arith.addi %mul3A_77, %add3A_105 : i32
      %get3A_107 = arith.index_cast %add3A_106 : i32 to index
      %get3A_108 = arith.constant 0 : index
      %get3A_109 = tpu.vector_load %arg7[%get3A_107, %get3A_108] {strides = array<i32>} : memref<3328x16xf32, #tpu.memory_space<vmem>>, vector<16xf32>,
      %add3A_110 = arith.addf %add3A_102, %get3A_109 : vector<16xf32>
      %mul3A_111 = arith.mulf %get3A_109, %get3A_109 : vector<16xf32>
      %add3A_112 = arith.addf %add3A_104, %mul3A_111 : vector<16xf32>
      %add3A_113 = arith.constant 5 : i32
      %add3A_114 = arith.addi %mul3A_77, %add3A_113 : i32
      %get3A_115 = arith.index_cast %add3A_114 : i32 to index
      %get3A_116 = arith.constant 0 : index
      %get3A_117 = tpu.vector_load %arg7[%get3A_115, %get3A_116] {strides = array<i32>} : memref<3328x16xf32, #tpu.memory_space<vmem>>, vector<16xf32>,
      %add3A_118 = arith.addf %add3A_110, %get3A_117 : vector<16xf32>
      %mul3A_119 = arith.mulf %get3A_117, %get3A_117 : vector<16xf32>
      %add3A_120 = arith.addf %add3A_112, %mul3A_119 : vector<16xf32>
      %add3A_121 = arith.constant 6 : i32
      %add3A_122 = arith.addi %mul3A_77, %add3A_121 : i32
      %get3A_123 = arith.index_cast %add3A_122 : i32 to index
      %get3A_124 = arith.constant 0 : index
      %get3A_125 = tpu.vector_load %arg7[%get3A_123, %get3A_124] {strides = array<i32>} : memref<3328x16xf32, #tpu.memory_space<vmem>>, vector<16xf32>,
      %add3A_126 = arith.addf %add3A_118, %get3A_125 : vector<16xf32>
      %mul3A_127 = arith.mulf %get3A_125, %get3A_125 : vector<16xf32>
      %add3A_128 = arith.addf %add3A_120, %mul3A_127 : vector<16xf32>
      %add3A_129 = arith.constant 7 : i32
      %add3A_130 = arith.addi %mul3A_77, %add3A_129 : i32
      %get3A_131 = arith.index_cast %add3A_130 : i32 to index
      %get3A_132 = arith.constant 0 : index
      %get3A_133 = tpu.vector_load %arg7[%get3A_131, %get3A_132] {strides = array<i32>} : memref<3328x16xf32, #tpu.memory_space<vmem>>, vector<16xf32>,
      %add3A_134 = arith.addf %add3A_126, %get3A_133 : vector<16xf32>
      %mul3A_135 = arith.mulf %get3A_133, %get3A_133 : vector<16xf32>
      %add3A_136 = arith.addf %add3A_128, %mul3A_135 : vector<16xf32>
      %add3A_137 = arith.constant 8 : i32
      %add3A_138 = arith.addi %mul3A_77, %add3A_137 : i32
      %get3A_139 = arith.index_cast %add3A_138 : i32 to index
      %get3A_140 = arith.constant 0 : index
      %get3A_141 = tpu.vector_load %arg7[%get3A_139, %get3A_140] {strides = array<i32>} : memref<3328x16xf32, #tpu.memory_space<vmem>>, vector<16xf32>,
      %add3A_142 = arith.addf %add3A_134, %get3A_141 : vector<16xf32>
      %mul3A_143 = arith.mulf %get3A_141, %get3A_141 : vector<16xf32>
      %add3A_144 = arith.addf %add3A_136, %mul3A_143 : vector<16xf32>
      %add3A_145 = arith.constant 9 : i32
      %add3A_146 = arith.addi %mul3A_77, %add3A_145 : i32
      %get3A_147 = arith.index_cast %add3A_146 : i32 to index
      %get3A_148 = arith.constant 0 : index
      %get3A_149 = tpu.vector_load %arg7[%get3A_147, %get3A_148] {strides = array<i32>} : memref<3328x16xf32, #tpu.memory_space<vmem>>, vector<16xf32>,
      %add3A_150 = arith.addf %add3A_142, %get3A_149 : vector<16xf32>
      %mul3A_151 = arith.mulf %get3A_149, %get3A_149 : vector<16xf32>
      %add3A_152 = arith.addf %add3A_144, %mul3A_151 : vector<16xf32>
      %add3A_153 = arith.constant 10 : i32
      %add3A_154 = arith.addi %mul3A_77, %add3A_153 : i32
      %get3A_155 = arith.index_cast %add3A_154 : i32 to index
      %get3A_156 = arith.constant 0 : index
      %get3A_157 = tpu.vector_load %arg7[%get3A_155, %get3A_156] {strides = array<i32>} : memref<3328x16xf32, #tpu.memory_space<vmem>>, vector<16xf32>,
      %add3A_158 = arith.addf %add3A_150, %get3A_157 : vector<16xf32>
      %mul3A_159 = arith.mulf %get3A_157, %get3A_157 : vector<16xf32>
      %add3A_160 = arith.addf %add3A_152, %mul3A_159 : vector<16xf32>
      %add3A_161 = arith.constant 11 : i32
      %add3A_162 = arith.addi %mul3A_77, %add3A_161 : i32
      %get3A_163 = arith.index_cast %add3A_162 : i32 to index
      %get3A_164 = arith.constant 0 : index
      %get3A_165 = tpu.vector_load %arg7[%get3A_163, %get3A_164] {strides = array<i32>} : memref<3328x16xf32, #tpu.memory_space<vmem>>, vector<16xf32>,
      %add3A_166 = arith.addf %add3A_158, %get3A_165 : vector<16xf32>
      %mul3A_167 = arith.mulf %get3A_165, %get3A_165 : vector<16xf32>
      %add3A_168 = arith.addf %add3A_160, %mul3A_167 : vector<16xf32>
      %add3A_169 = arith.constant 12 : i32
      %add3A_170 = arith.addi %mul3A_77, %add3A_169 : i32
      %get3A_171 = arith.index_cast %add3A_170 : i32 to index
      %get3A_172 = arith.constant 0 : index
      %get3A_173 = tpu.vector_load %arg7[%get3A_171, %get3A_172] {strides = array<i32>} : memref<3328x16xf32, #tpu.memory_space<vmem>>, vector<16xf32>,
      %add3A_174 = arith.addf %add3A_166, %get3A_173 : vector<16xf32>
      %mul3A_175 = arith.mulf %get3A_173, %get3A_173 : vector<16xf32>
      %add3A_176 = arith.addf %add3A_168, %mul3A_175 : vector<16xf32>
      %add3A_177 = arith.constant 13 : i32
      %add3A_178 = arith.addi %mul3A_77, %add3A_177 : i32
      %get3A_179 = arith.index_cast %add3A_178 : i32 to index
      %get3A_180 = arith.constant 0 : index
      %get3A_181 = tpu.vector_load %arg7[%get3A_179, %get3A_180] {strides = array<i32>} : memref<3328x16xf32, #tpu.memory_space<vmem>>, vector<16xf32>,
      %add3A_182 = arith.addf %add3A_174, %get3A_181 : vector<16xf32>
      %mul3A_183 = arith.mulf %get3A_181, %get3A_181 : vector<16xf32>
      %add3A_184 = arith.addf %add3A_176, %mul3A_183 : vector<16xf32>
      %add3A_185 = arith.constant 14 : i32
      %add3A_186 = arith.addi %mul3A_77, %add3A_185 : i32
      %get3A_187 = arith.index_cast %add3A_186 : i32 to index
      %get3A_188 = arith.constant 0 : index
      %get3A_189 = tpu.vector_load %arg7[%get3A_187, %get3A_188] {strides = array<i32>} : memref<3328x16xf32, #tpu.memory_space<vmem>>, vector<16xf32>,
      %add3A_190 = arith.addf %add3A_182, %get3A_189 : vector<16xf32>
      %mul3A_191 = arith.mulf %get3A_189, %get3A_189 : vector<16xf32>
      %add3A_192 = arith.addf %add3A_184, %mul3A_191 : vector<16xf32>
      %add3A_193 = arith.constant 15 : i32
      %add3A_194 = arith.addi %mul3A_77, %add3A_193 : i32
      %get3A_195 = arith.index_cast %add3A_194 : i32 to index
      %get3A_196 = arith.constant 0 : index
      %get3A_197 = tpu.vector_load %arg7[%get3A_195, %get3A_196] {strides = array<i32>} : memref<3328x16xf32, #tpu.memory_space<vmem>>, vector<16xf32>,
      %add3A_198 = arith.addf %add3A_190, %get3A_197 : vector<16xf32>
      %mul3A_199 = arith.mulf %get3A_197, %get3A_197 : vector<16xf32>
      %add3A_200 = arith.addf %add3A_192, %mul3A_199 : vector<16xf32>
      %add3A_201 = arith.constant 16 : i32
      %add3A_202 = arith.addi %mul3A_77, %add3A_201 : i32
      %get3A_203 = arith.index_cast %add3A_202 : i32 to index
      %get3A_204 = arith.constant 0 : index
      %get3A_205 = tpu.vector_load %arg7[%get3A_203, %get3A_204] {strides = array<i32>} : memref<3328x16xf32, #tpu.memory_space<vmem>>, vector<16xf32>,
      %add3A_206 = arith.addf %add3A_198, %get3A_205 : vector<16xf32>
      %mul3A_207 = arith.mulf %get3A_205, %get3A_205 : vector<16xf32>
      %add3A_208 = arith.addf %add3A_200, %mul3A_207 : vector<16xf32>
      %add3A_209 = arith.constant 17 : i32
      %add3A_210 = arith.addi %mul3A_77, %add3A_209 : i32
      %get3A_211 = arith.index_cast %add3A_210 : i32 to index
      %get3A_212 = arith.constant 0 : index
      %get3A_213 = tpu.vector_load %arg7[%get3A_211, %get3A_212] {strides = array<i32>} : memref<3328x16xf32, #tpu.memory_space<vmem>>, vector<16xf32>,
      %add3A_214 = arith.addf %add3A_206, %get3A_213 : vector<16xf32>
      %mul3A_215 = arith.mulf %get3A_213, %get3A_213 : vector<16xf32>
      %add3A_216 = arith.addf %add3A_208, %mul3A_215 : vector<16xf32>
      %add3A_217 = arith.constant 18 : i32
      %add3A_218 = arith.addi %mul3A_77, %add3A_217 : i32
      %get3A_219 = arith.index_cast %add3A_218 : i32 to index
      %get3A_220 = arith.constant 0 : index
      %get3A_221 = tpu.vector_load %arg7[%get3A_219, %get3A_220] {strides = array<i32>} : memref<3328x16xf32, #tpu.memory_space<vmem>>, vector<16xf32>,
      %add3A_222 = arith.addf %add3A_214, %get3A_221 : vector<16xf32>
      %mul3A_223 = arith.mulf %get3A_221, %get3A_221 : vector<16xf32>
      %add3A_224 = arith.addf %add3A_216, %mul3A_223 : vector<16xf32>
      %add3A_225 = arith.constant 19 : i32
      %add3A_226 = arith.addi %mul3A_77, %add3A_225 : i32
      %get3A_227 = arith.index_cast %add3A_226 : i32 to index
      %get3A_228 = arith.constant 0 : index
      %get3A_229 = tpu.vector_load %arg7[%get3A_227, %get3A_228] {strides = array<i32>} : memref<3328x16xf32, #tpu.memory_space<vmem>>, vector<16xf32>,
      %add3A_230 = arith.addf %add3A_222, %get3A_229 : vector<16xf32>
      %mul3A_231 = arith.mulf %get3A_229, %get3A_229 : vector<16xf32>
      %add3A_232 = arith.addf %add3A_224, %mul3A_231 : vector<16xf32>
      %add3A_233 = arith.constant 20 : i32
      %add3A_234 = arith.addi %mul3A_77, %add3A_233 : i32
      %get3A_235 = arith.index_cast %add3A_234 : i32 to index
      %get3A_236 = arith.constant 0 : index
      %get3A_237 = tpu.vector_load %arg7[%get3A_235, %get3A_236] {strides = array<i32>} : memref<3328x16xf32, #tpu.memory_space<vmem>>, vector<16xf32>,
      %add3A_238 = arith.addf %add3A_230, %get3A_237 : vector<16xf32>
      %mul3A_239 = arith.mulf %get3A_237, %get3A_237 : vector<16xf32>
      %add3A_240 = arith.addf %add3A_232, %mul3A_239 : vector<16xf32>
      %add3A_241 = arith.constant 21 : i32
      %add3A_242 = arith.addi %mul3A_77, %add3A_241 : i32
      %get3A_243 = arith.index_cast %add3A_242 : i32 to index
      %get3A_244 = arith.constant 0 : index
      %get3A_245 = tpu.vector_load %arg7[%get3A_243, %get3A_244] {strides = array<i32>} : memref<3328x16xf32, #tpu.memory_space<vmem>>, vector<16xf32>,
      %add3A_246 = arith.addf %add3A_238, %get3A_245 : vector<16xf32>
      %mul3A_247 = arith.mulf %get3A_245, %get3A_245 : vector<16xf32>
      %add3A_248 = arith.addf %add3A_240, %mul3A_247 : vector<16xf32>
      %add3A_249 = arith.constant 22 : i32
      %add3A_250 = arith.addi %mul3A_77, %add3A_249 : i32
      %get3A_251 = arith.index_cast %add3A_250 : i32 to index
      %get3A_252 = arith.constant 0 : index
      %get3A_253 = tpu.vector_load %arg7[%get3A_251, %get3A_252] {strides = array<i32>} : memref<3328x16xf32, #tpu.memory_space<vmem>>, vector<16xf32>,
      %add3A_254 = arith.addf %add3A_246, %get3A_253 : vector<16xf32>
      %mul3A_255 = arith.mulf %get3A_253, %get3A_253 : vector<16xf32>
      %add3A_256 = arith.addf %add3A_248, %mul3A_255 : vector<16xf32>
      %add3A_257 = arith.constant 23 : i32
      %add3A_258 = arith.addi %mul3A_77, %add3A_257 : i32
      %get3A_259 = arith.index_cast %add3A_258 : i32 to index
      %get3A_260 = arith.constant 0 : index
      %get3A_261 = tpu.vector_load %arg7[%get3A_259, %get3A_260] {strides = array<i32>} : memref<3328x16xf32, #tpu.memory_space<vmem>>, vector<16xf32>,
      %add3A_262 = arith.addf %add3A_254, %get3A_261 : vector<16xf32>
      %mul3A_263 = arith.mulf %get3A_261, %get3A_261 : vector<16xf32>
      %add3A_264 = arith.addf %add3A_256, %mul3A_263 : vector<16xf32>
      %add3A_265 = arith.constant 24 : i32
      %add3A_266 = arith.addi %mul3A_77, %add3A_265 : i32
      %get3A_267 = arith.index_cast %add3A_266 : i32 to index
      %get3A_268 = arith.constant 0 : index
      %get3A_269 = tpu.vector_load %arg7[%get3A_267, %get3A_268] {strides = array<i32>} : memref<3328x16xf32, #tpu.memory_space<vmem>>, vector<16xf32>,
      %add3A_270 = arith.addf %add3A_262, %get3A_269 : vector<16xf32>
      %mul3A_271 = arith.mulf %get3A_269, %get3A_269 : vector<16xf32>
      %add3A_272 = arith.addf %add3A_264, %mul3A_271 : vector<16xf32>
      %add3A_273 = arith.constant 25 : i32
      %add3A_274 = arith.addi %mul3A_77, %add3A_273 : i32
      %get3A_275 = arith.index_cast %add3A_274 : i32 to index
      %get3A_276 = arith.constant 0 : index
      %get3A_277 = tpu.vector_load %arg7[%get3A_275, %get3A_276] {strides = array<i32>} : memref<3328x16xf32, #tpu.memory_space<vmem>>, vector<16xf32>,
      %add3A_278 = arith.addf %add3A_270, %get3A_277 : vector<16xf32>
      %mul3A_279 = arith.mulf %get3A_277, %get3A_277 : vector<16xf32>
      %add3A_280 = arith.addf %add3A_272, %mul3A_279 : vector<16xf32>
      %mul3A_281 = arith.mulf %add3A_278, %add3A_278 : vector<16xf32>
      %sub3A = arith.subf %mul3A_281, %add3A_280 : vector<16xf32>
      %swap3A = arith.index_cast %scan3A_75 : i32 to index
      %swap3A_282 = arith.constant 0 : index
      %swap3A_283 = tpu.vector_load %arg9[%swap3A, %swap3A_282] {strides = array<i32>} : memref<128x16xf32, #tpu.memory_space<vmem>>, vector<16xf32>,
      tpu.vector_store %arg9[%swap3A, %swap3A_282], %sub3A {strides = array<i32>} : memref<128x16xf32, #tpu.memory_space<vmem>>, vector<16xf32>,
    }
    %scan3A_40 = arith.constant 64 : i32
    %dma_wait3A_41 = arith.constant 0 : i32
    %dma_wait3A_42 = arith.constant 0 : i32
    %dma_wait3A_43 = tpu.memref_slice %arg7[%dma_wait3A_41, %dma_wait3A_42] : memref<3328x16xf32, #tpu.memory_space<vmem>> -> memref<1664x16xf32, #tpu.memory_space<vmem>>
    %dma_wait3A_44 = arith.constant 0 : i32
    %dma_wait3A_45 = arith.constant 0 : i32
    %dma_wait3A_46 = tpu.memref_slice %arg4[%dma_wait3A_44, %dma_wait3A_45] : memref<2600000x16xf32, #tpu.memory_space<hbm>> -> memref<1664x16xf32, #tpu.memory_space<hbm>>
    %dma_wait3A_47 = arith.constant 0 : i32
    %dma_wait3A_48 = arith.constant 0 : i32
    %dma_wait3A_49 = tpu.memref_slice %arg7[%dma_wait3A_47, %dma_wait3A_48] : memref<3328x16xf32, #tpu.memory_space<vmem>> -> memref<1664x16xf32, #tpu.memory_space<vmem>>
    %dma_wait3A_50 = arith.constant 0 : i32
    %dma_wait3A_51 = arith.constant 0 : i32
    %dma_wait3A_52 = tpu.memref_slice %arg4[%dma_wait3A_50, %dma_wait3A_51] : memref<2600000x16xf32, #tpu.memory_space<hbm>> -> memref<1664x16xf32, #tpu.memory_space<hbm>>
    tpu.wait_dma2 semaphore(%arg12 : memref<!tpu.dma_semaphore, #tpu.memory_space<semaphore_mem>>) src(%dma_wait3A_52 : memref<1664x16xf32, #tpu.memory_space<hbm>>) dst(%dma_wait3A_49 : memref<1664x16xf32, #tpu.memory_space<vmem>>)
    %dma_wait3A_53 = arith.constant 0 : i32
    %dma_wait3A_54 = tpu.memref_slice %arg8[%dma_wait3A_53] : memref<3328xf32, #tpu.memory_space<vmem>> -> memref<1664xf32, #tpu.memory_space<vmem>>
    %dma_wait3A_55 = arith.constant 0 : i32
    %dma_wait3A_56 = tpu.memref_slice %arg3[%dma_wait3A_55] : memref<2600000xf32, #tpu.memory_space<hbm>> -> memref<1664xf32, #tpu.memory_space<hbm>>
    %dma_wait3A_57 = arith.constant 0 : i32
    %dma_wait3A_58 = tpu.memref_slice %arg8[%dma_wait3A_57] : memref<3328xf32, #tpu.memory_space<vmem>> -> memref<1664xf32, #tpu.memory_space<vmem>>
    %dma_wait3A_59 = arith.constant 0 : i32
    %dma_wait3A_60 = tpu.memref_slice %arg3[%dma_wait3A_59] : memref<2600000xf32, #tpu.memory_space<hbm>> -> memref<1664xf32, #tpu.memory_space<hbm>>
    tpu.wait_dma2 semaphore(%arg14 : memref<!tpu.dma_semaphore, #tpu.memory_space<semaphore_mem>>) src(%dma_wait3A_60 : memref<1664xf32, #tpu.memory_space<hbm>>) dst(%dma_wait3A_58 : memref<1664xf32, #tpu.memory_space<vmem>>)
    %scan3A_61 = arith.constant 0 : i32
    %scan3A_62 = arith.constant 64 : i32
    %scan3A_63 = arith.constant 64 : i32
    %scan3A_64 = arith.addi %scan3A_62, %scan3A_63 : i32
    %scan3A_65 = arith.constant 1 : i32
    scf.for %scan3A_75 = %scan3A_62 to %scan3A_64 step %scan3A_65  : i32 {
      %mul3A_76 = arith.constant 26 : i32
      %mul3A_77 = arith.muli %scan3A_75, %mul3A_76 : i32
      %get3A = arith.index_cast %mul3A_77 : i32 to index
      %get3A_78 = arith.constant 0 : index
      %get3A_79 = tpu.vector_load %arg7[%get3A, %get3A_78] {strides = array<i32>} : memref<3328x16xf32, #tpu.memory_space<vmem>>, vector<16xf32>,
      %mul3A_80 = arith.mulf %get3A_79, %get3A_79 : vector<16xf32>
      %add3A_81 = arith.constant 1 : i32
      %add3A_82 = arith.addi %mul3A_77, %add3A_81 : i32
      %get3A_83 = arith.index_cast %add3A_82 : i32 to index
      %get3A_84 = arith.constant 0 : index
      %get3A_85 = tpu.vector_load %arg7[%get3A_83, %get3A_84] {strides = array<i32>} : memref<3328x16xf32, #tpu.memory_space<vmem>>, vector<16xf32>,
      %add3A_86 = arith.addf %get3A_79, %get3A_85 : vector<16xf32>
      %mul3A_87 = arith.mulf %get3A_85, %get3A_85 : vector<16xf32>
      %add3A_88 = arith.addf %mul3A_80, %mul3A_87 : vector<16xf32>
      %add3A_89 = arith.constant 2 : i32
      %add3A_90 = arith.addi %mul3A_77, %add3A_89 : i32
      %get3A_91 = arith.index_cast %add3A_90 : i32 to index
      %get3A_92 = arith.constant 0 : index
      %get3A_93 = tpu.vector_load %arg7[%get3A_91, %get3A_92] {strides = array<i32>} : memref<3328x16xf32, #tpu.memory_space<vmem>>, vector<16xf32>,
      %add3A_94 = arith.addf %add3A_86, %get3A_93 : vector<16xf32>
      %mul3A_95 = arith.mulf %get3A_93, %get3A_93 : vector<16xf32>
      %add3A_96 = arith.addf %add3A_88, %mul3A_95 : vector<16xf32>
      %add3A_97 = arith.constant 3 : i32
      %add3A_98 = arith.addi %mul3A_77, %add3A_97 : i32
      %get3A_99 = arith.index_cast %add3A_98 : i32 to index
      %get3A_100 = arith.constant 0 : index
      %get3A_101 = tpu.vector_load %arg7[%get3A_99, %get3A_100] {strides = array<i32>} : memref<3328x16xf32, #tpu.memory_space<vmem>>, vector<16xf32>,
      %add3A_102 = arith.addf %add3A_94, %get3A_101 : vector<16xf32>
      %mul3A_103 = arith.mulf %get3A_101, %get3A_101 : vector<16xf32>
      %add3A_104 = arith.addf %add3A_96, %mul3A_103 : vector<16xf32>
      %add3A_105 = arith.constant 4 : i32
      %add3A_106 = arith.addi %mul3A_77, %add3A_105 : i32
      %get3A_107 = arith.index_cast %add3A_106 : i32 to index
      %get3A_108 = arith.constant 0 : index
      %get3A_109 = tpu.vector_load %arg7[%get3A_107, %get3A_108] {strides = array<i32>} : memref<3328x16xf32, #tpu.memory_space<vmem>>, vector<16xf32>,
      %add3A_110 = arith.addf %add3A_102, %get3A_109 : vector<16xf32>
      %mul3A_111 = arith.mulf %get3A_109, %get3A_109 : vector<16xf32>
      %add3A_112 = arith.addf %add3A_104, %mul3A_111 : vector<16xf32>
      %add3A_113 = arith.constant 5 : i32
      %add3A_114 = arith.addi %mul3A_77, %add3A_113 : i32
      %get3A_115 = arith.index_cast %add3A_114 : i32 to index
      %get3A_116 = arith.constant 0 : index
      %get3A_117 = tpu.vector_load %arg7[%get3A_115, %get3A_116] {strides = array<i32>} : memref<3328x16xf32, #tpu.memory_space<vmem>>, vector<16xf32>,
      %add3A_118 = arith.addf %add3A_110, %get3A_117 : vector<16xf32>
      %mul3A_119 = arith.mulf %get3A_117, %get3A_117 : vector<16xf32>
      %add3A_120 = arith.addf %add3A_112, %mul3A_119 : vector<16xf32>
      %add3A_121 = arith.constant 6 : i32
      %add3A_122 = arith.addi %mul3A_77, %add3A_121 : i32
      %get3A_123 = arith.index_cast %add3A_122 : i32 to index
      %get3A_124 = arith.constant 0 : index
      %get3A_125 = tpu.vector_load %arg7[%get3A_123, %get3A_124] {strides = array<i32>} : memref<3328x16xf32, #tpu.memory_space<vmem>>, vector<16xf32>,
      %add3A_126 = arith.addf %add3A_118, %get3A_125 : vector<16xf32>
      %mul3A_127 = arith.mulf %get3A_125, %get3A_125 : vector<16xf32>
      %add3A_128 = arith.addf %add3A_120, %mul3A_127 : vector<16xf32>
      %add3A_129 = arith.constant 7 : i32
      %add3A_130 = arith.addi %mul3A_77, %add3A_129 : i32
      %get3A_131 = arith.index_cast %add3A_130 : i32 to index
      %get3A_132 = arith.constant 0 : index
      %get3A_133 = tpu.vector_load %arg7[%get3A_131, %get3A_132] {strides = array<i32>} : memref<3328x16xf32, #tpu.memory_space<vmem>>, vector<16xf32>,
      %add3A_134 = arith.addf %add3A_126, %get3A_133 : vector<16xf32>
      %mul3A_135 = arith.mulf %get3A_133, %get3A_133 : vector<16xf32>
      %add3A_136 = arith.addf %add3A_128, %mul3A_135 : vector<16xf32>
      %add3A_137 = arith.constant 8 : i32
      %add3A_138 = arith.addi %mul3A_77, %add3A_137 : i32
      %get3A_139 = arith.index_cast %add3A_138 : i32 to index
      %get3A_140 = arith.constant 0 : index
      %get3A_141 = tpu.vector_load %arg7[%get3A_139, %get3A_140] {strides = array<i32>} : memref<3328x16xf32, #tpu.memory_space<vmem>>, vector<16xf32>,
      %add3A_142 = arith.addf %add3A_134, %get3A_141 : vector<16xf32>
      %mul3A_143 = arith.mulf %get3A_141, %get3A_141 : vector<16xf32>
      %add3A_144 = arith.addf %add3A_136, %mul3A_143 : vector<16xf32>
      %add3A_145 = arith.constant 9 : i32
      %add3A_146 = arith.addi %mul3A_77, %add3A_145 : i32
      %get3A_147 = arith.index_cast %add3A_146 : i32 to index
      %get3A_148 = arith.constant 0 : index
      %get3A_149 = tpu.vector_load %arg7[%get3A_147, %get3A_148] {strides = array<i32>} : memref<3328x16xf32, #tpu.memory_space<vmem>>, vector<16xf32>,
      %add3A_150 = arith.addf %add3A_142, %get3A_149 : vector<16xf32>
      %mul3A_151 = arith.mulf %get3A_149, %get3A_149 : vector<16xf32>
      %add3A_152 = arith.addf %add3A_144, %mul3A_151 : vector<16xf32>
      %add3A_153 = arith.constant 10 : i32
      %add3A_154 = arith.addi %mul3A_77, %add3A_153 : i32
      %get3A_155 = arith.index_cast %add3A_154 : i32 to index
      %get3A_156 = arith.constant 0 : index
      %get3A_157 = tpu.vector_load %arg7[%get3A_155, %get3A_156] {strides = array<i32>} : memref<3328x16xf32, #tpu.memory_space<vmem>>, vector<16xf32>,
      %add3A_158 = arith.addf %add3A_150, %get3A_157 : vector<16xf32>
      %mul3A_159 = arith.mulf %get3A_157, %get3A_157 : vector<16xf32>
      %add3A_160 = arith.addf %add3A_152, %mul3A_159 : vector<16xf32>
      %add3A_161 = arith.constant 11 : i32
      %add3A_162 = arith.addi %mul3A_77, %add3A_161 : i32
      %get3A_163 = arith.index_cast %add3A_162 : i32 to index
      %get3A_164 = arith.constant 0 : index
      %get3A_165 = tpu.vector_load %arg7[%get3A_163, %get3A_164] {strides = array<i32>} : memref<3328x16xf32, #tpu.memory_space<vmem>>, vector<16xf32>,
      %add3A_166 = arith.addf %add3A_158, %get3A_165 : vector<16xf32>
      %mul3A_167 = arith.mulf %get3A_165, %get3A_165 : vector<16xf32>
      %add3A_168 = arith.addf %add3A_160, %mul3A_167 : vector<16xf32>
      %add3A_169 = arith.constant 12 : i32
      %add3A_170 = arith.addi %mul3A_77, %add3A_169 : i32
      %get3A_171 = arith.index_cast %add3A_170 : i32 to index
      %get3A_172 = arith.constant 0 : index
      %get3A_173 = tpu.vector_load %arg7[%get3A_171, %get3A_172] {strides = array<i32>} : memref<3328x16xf32, #tpu.memory_space<vmem>>, vector<16xf32>,
      %add3A_174 = arith.addf %add3A_166, %get3A_173 : vector<16xf32>
      %mul3A_175 = arith.mulf %get3A_173, %get3A_173 : vector<16xf32>
      %add3A_176 = arith.addf %add3A_168, %mul3A_175 : vector<16xf32>
      %add3A_177 = arith.constant 13 : i32
      %add3A_178 = arith.addi %mul3A_77, %add3A_177 : i32
      %get3A_179 = arith.index_cast %add3A_178 : i32 to index
      %get3A_180 = arith.constant 0 : index
      %get3A_181 = tpu.vector_load %arg7[%get3A_179, %get3A_180] {strides = array<i32>} : memref<3328x16xf32, #tpu.memory_space<vmem>>, vector<16xf32>,
      %add3A_182 = arith.addf %add3A_174, %get3A_181 : vector<16xf32>
      %mul3A_183 = arith.mulf %get3A_181, %get3A_181 : vector<16xf32>
      %add3A_184 = arith.addf %add3A_176, %mul3A_183 : vector<16xf32>
      %add3A_185 = arith.constant 14 : i32
      %add3A_186 = arith.addi %mul3A_77, %add3A_185 : i32
      %get3A_187 = arith.index_cast %add3A_186 : i32 to index
      %get3A_188 = arith.constant 0 : index
      %get3A_189 = tpu.vector_load %arg7[%get3A_187, %get3A_188] {strides = array<i32>} : memref<3328x16xf32, #tpu.memory_space<vmem>>, vector<16xf32>,
      %add3A_190 = arith.addf %add3A_182, %get3A_189 : vector<16xf32>
      %mul3A_191 = arith.mulf %get3A_189, %get3A_189 : vector<16xf32>
      %add3A_192 = arith.addf %add3A_184, %mul3A_191 : vector<16xf32>
      %add3A_193 = arith.constant 15 : i32
      %add3A_194 = arith.addi %mul3A_77, %add3A_193 : i32
      %get3A_195 = arith.index_cast %add3A_194 : i32 to index
      %get3A_196 = arith.constant 0 : index
      %get3A_197 = tpu.vector_load %arg7[%get3A_195, %get3A_196] {strides = array<i32>} : memref<3328x16xf32, #tpu.memory_space<vmem>>, vector<16xf32>,
      %add3A_198 = arith.addf %add3A_190, %get3A_197 : vector<16xf32>
      %mul3A_199 = arith.mulf %get3A_197, %get3A_197 : vector<16xf32>
      %add3A_200 = arith.addf %add3A_192, %mul3A_199 : vector<16xf32>
      %add3A_201 = arith.constant 16 : i32
      %add3A_202 = arith.addi %mul3A_77, %add3A_201 : i32
      %get3A_203 = arith.index_cast %add3A_202 : i32 to index
      %get3A_204 = arith.constant 0 : index
      %get3A_205 = tpu.vector_load %arg7[%get3A_203, %get3A_204] {strides = array<i32>} : memref<3328x16xf32, #tpu.memory_space<vmem>>, vector<16xf32>,
      %add3A_206 = arith.addf %add3A_198, %get3A_205 : vector<16xf32>
      %mul3A_207 = arith.mulf %get3A_205, %get3A_205 : vector<16xf32>
      %add3A_208 = arith.addf %add3A_200, %mul3A_207 : vector<16xf32>
      %add3A_209 = arith.constant 17 : i32
      %add3A_210 = arith.addi %mul3A_77, %add3A_209 : i32
      %get3A_211 = arith.index_cast %add3A_210 : i32 to index
      %get3A_212 = arith.constant 0 : index
      %get3A_213 = tpu.vector_load %arg7[%get3A_211, %get3A_212] {strides = array<i32>} : memref<3328x16xf32, #tpu.memory_space<vmem>>, vector<16xf32>,
      %add3A_214 = arith.addf %add3A_206, %get3A_213 : vector<16xf32>
      %mul3A_215 = arith.mulf %get3A_213, %get3A_213 : vector<16xf32>
      %add3A_216 = arith.addf %add3A_208, %mul3A_215 : vector<16xf32>
      %add3A_217 = arith.constant 18 : i32
      %add3A_218 = arith.addi %mul3A_77, %add3A_217 : i32
      %get3A_219 = arith.index_cast %add3A_218 : i32 to index
      %get3A_220 = arith.constant 0 : index
      %get3A_221 = tpu.vector_load %arg7[%get3A_219, %get3A_220] {strides = array<i32>} : memref<3328x16xf32, #tpu.memory_space<vmem>>, vector<16xf32>,
      %add3A_222 = arith.addf %add3A_214, %get3A_221 : vector<16xf32>
      %mul3A_223 = arith.mulf %get3A_221, %get3A_221 : vector<16xf32>
      %add3A_224 = arith.addf %add3A_216, %mul3A_223 : vector<16xf32>
      %add3A_225 = arith.constant 19 : i32
      %add3A_226 = arith.addi %mul3A_77, %add3A_225 : i32
      %get3A_227 = arith.index_cast %add3A_226 : i32 to index
      %get3A_228 = arith.constant 0 : index
      %get3A_229 = tpu.vector_load %arg7[%get3A_227, %get3A_228] {strides = array<i32>} : memref<3328x16xf32, #tpu.memory_space<vmem>>, vector<16xf32>,
      %add3A_230 = arith.addf %add3A_222, %get3A_229 : vector<16xf32>
      %mul3A_231 = arith.mulf %get3A_229, %get3A_229 : vector<16xf32>
      %add3A_232 = arith.addf %add3A_224, %mul3A_231 : vector<16xf32>
      %add3A_233 = arith.constant 20 : i32
      %add3A_234 = arith.addi %mul3A_77, %add3A_233 : i32
      %get3A_235 = arith.index_cast %add3A_234 : i32 to index
      %get3A_236 = arith.constant 0 : index
      %get3A_237 = tpu.vector_load %arg7[%get3A_235, %get3A_236] {strides = array<i32>} : memref<3328x16xf32, #tpu.memory_space<vmem>>, vector<16xf32>,
      %add3A_238 = arith.addf %add3A_230, %get3A_237 : vector<16xf32>
      %mul3A_239 = arith.mulf %get3A_237, %get3A_237 : vector<16xf32>
      %add3A_240 = arith.addf %add3A_232, %mul3A_239 : vector<16xf32>
      %add3A_241 = arith.constant 21 : i32
      %add3A_242 = arith.addi %mul3A_77, %add3A_241 : i32
      %get3A_243 = arith.index_cast %add3A_242 : i32 to index
      %get3A_244 = arith.constant 0 : index
      %get3A_245 = tpu.vector_load %arg7[%get3A_243, %get3A_244] {strides = array<i32>} : memref<3328x16xf32, #tpu.memory_space<vmem>>, vector<16xf32>,
      %add3A_246 = arith.addf %add3A_238, %get3A_245 : vector<16xf32>
      %mul3A_247 = arith.mulf %get3A_245, %get3A_245 : vector<16xf32>
      %add3A_248 = arith.addf %add3A_240, %mul3A_247 : vector<16xf32>
      %add3A_249 = arith.constant 22 : i32
      %add3A_250 = arith.addi %mul3A_77, %add3A_249 : i32
      %get3A_251 = arith.index_cast %add3A_250 : i32 to index
      %get3A_252 = arith.constant 0 : index
      %get3A_253 = tpu.vector_load %arg7[%get3A_251, %get3A_252] {strides = array<i32>} : memref<3328x16xf32, #tpu.memory_space<vmem>>, vector<16xf32>,
      %add3A_254 = arith.addf %add3A_246, %get3A_253 : vector<16xf32>
      %mul3A_255 = arith.mulf %get3A_253, %get3A_253 : vector<16xf32>
      %add3A_256 = arith.addf %add3A_248, %mul3A_255 : vector<16xf32>
      %add3A_257 = arith.constant 23 : i32
      %add3A_258 = arith.addi %mul3A_77, %add3A_257 : i32
      %get3A_259 = arith.index_cast %add3A_258 : i32 to index
      %get3A_260 = arith.constant 0 : index
      %get3A_261 = tpu.vector_load %arg7[%get3A_259, %get3A_260] {strides = array<i32>} : memref<3328x16xf32, #tpu.memory_space<vmem>>, vector<16xf32>,
      %add3A_262 = arith.addf %add3A_254, %get3A_261 : vector<16xf32>
      %mul3A_263 = arith.mulf %get3A_261, %get3A_261 : vector<16xf32>
      %add3A_264 = arith.addf %add3A_256, %mul3A_263 : vector<16xf32>
      %add3A_265 = arith.constant 24 : i32
      %add3A_266 = arith.addi %mul3A_77, %add3A_265 : i32
      %get3A_267 = arith.index_cast %add3A_266 : i32 to index
      %get3A_268 = arith.constant 0 : index
      %get3A_269 = tpu.vector_load %arg7[%get3A_267, %get3A_268] {strides = array<i32>} : memref<3328x16xf32, #tpu.memory_space<vmem>>, vector<16xf32>,
      %add3A_270 = arith.addf %add3A_262, %get3A_269 : vector<16xf32>
      %mul3A_271 = arith.mulf %get3A_269, %get3A_269 : vector<16xf32>
      %add3A_272 = arith.addf %add3A_264, %mul3A_271 : vector<16xf32>
      %add3A_273 = arith.constant 25 : i32
      %add3A_274 = arith.addi %mul3A_77, %add3A_273 : i32
      %get3A_275 = arith.index_cast %add3A_274 : i32 to index
      %get3A_276 = arith.constant 0 : index
      %get3A_277 = tpu.vector_load %arg7[%get3A_275, %get3A_276] {strides = array<i32>} : memref<3328x16xf32, #tpu.memory_space<vmem>>, vector<16xf32>,
      %add3A_278 = arith.addf %add3A_270, %get3A_277 : vector<16xf32>
      %mul3A_279 = arith.mulf %get3A_277, %get3A_277 : vector<16xf32>
      %add3A_280 = arith.addf %add3A_272, %mul3A_279 : vector<16xf32>
      %mul3A_281 = arith.mulf %add3A_278, %add3A_278 : vector<16xf32>
      %sub3A = arith.subf %mul3A_281, %add3A_280 : vector<16xf32>
      %swap3A = arith.index_cast %scan3A_75 : i32 to index
      %swap3A_282 = arith.constant 0 : index
      %swap3A_283 = tpu.vector_load %arg9[%swap3A, %swap3A_282] {strides = array<i32>} : memref<128x16xf32, #tpu.memory_space<vmem>>, vector<16xf32>,
      tpu.vector_store %arg9[%swap3A, %swap3A_282], %sub3A {strides = array<i32>} : memref<128x16xf32, #tpu.memory_space<vmem>>, vector<16xf32>,
    }
    %scan3A_66 = arith.constant 64 : i32
    %scan3A_67 = arith.constant 0 : i32
    %scan3A_68 = arith.constant 0 : i32
    %scan3A_69 = arith.constant 8 : i32
    %scan3A_70 = arith.addi %scan3A_68, %scan3A_69 : i32
    %scan3A_71 = arith.constant 1 : i32
    scf.for %scan3A_75 = %scan3A_68 to %scan3A_70 step %scan3A_71  : i32 {
      %mul3A_76 = arith.constant 16 : i32
      %mul3A_77 = arith.muli %scan3A_75, %mul3A_76 : i32
      %add3A_78 = vector.broadcast %mul3A_77 : i32 to vector<16xi32>
      %add3A_79 = arith.addi %add3A_78, %iota3A : vector<16xi32>
      %broadcast_in_dim3A = arith.constant 0.000000e+00 : f32
      %broadcast_in_dim3A_80 = vector.broadcast %broadcast_in_dim3A : f32 to vector<16xf32>
      %broadcast_in_dim3A_81 = arith.constant 0 : i32
      %broadcast_in_dim3A_82 = vector.broadcast %broadcast_in_dim3A_81 : i32 to vector<16xi32>
      %gather3A = tpu.vector_load_idx %arg9[%add3A_79, %broadcast_in_dim3A_82] : memref<128x16xf32, #tpu.memory_space<vmem>>[vector<16xi32>, vector<16xi32>], vector<16xf32>,
      %add3A_83 = arith.addf %broadcast_in_dim3A_80, %gather3A : vector<16xf32>
      %broadcast_in_dim3A_84 = arith.constant 1 : i32
      %broadcast_in_dim3A_85 = vector.broadcast %broadcast_in_dim3A_84 : i32 to vector<16xi32>
      %gather3A_86 = tpu.vector_load_idx %arg9[%add3A_79, %broadcast_in_dim3A_85] : memref<128x16xf32, #tpu.memory_space<vmem>>[vector<16xi32>, vector<16xi32>], vector<16xf32>,
      %add3A_87 = arith.addf %add3A_83, %gather3A_86 : vector<16xf32>
      %broadcast_in_dim3A_88 = arith.constant 2 : i32
      %broadcast_in_dim3A_89 = vector.broadcast %broadcast_in_dim3A_88 : i32 to vector<16xi32>
      %gather3A_90 = tpu.vector_load_idx %arg9[%add3A_79, %broadcast_in_dim3A_89] : memref<128x16xf32, #tpu.memory_space<vmem>>[vector<16xi32>, vector<16xi32>], vector<16xf32>,
      %add3A_91 = arith.addf %add3A_87, %gather3A_90 : vector<16xf32>
      %broadcast_in_dim3A_92 = arith.constant 3 : i32
      %broadcast_in_dim3A_93 = vector.broadcast %broadcast_in_dim3A_92 : i32 to vector<16xi32>
      %gather3A_94 = tpu.vector_load_idx %arg9[%add3A_79, %broadcast_in_dim3A_93] : memref<128x16xf32, #tpu.memory_space<vmem>>[vector<16xi32>, vector<16xi32>], vector<16xf32>,
      %add3A_95 = arith.addf %add3A_91, %gather3A_94 : vector<16xf32>
      %broadcast_in_dim3A_96 = arith.constant 4 : i32
      %broadcast_in_dim3A_97 = vector.broadcast %broadcast_in_dim3A_96 : i32 to vector<16xi32>
      %gather3A_98 = tpu.vector_load_idx %arg9[%add3A_79, %broadcast_in_dim3A_97] : memref<128x16xf32, #tpu.memory_space<vmem>>[vector<16xi32>, vector<16xi32>], vector<16xf32>,
      %add3A_99 = arith.addf %add3A_95, %gather3A_98 : vector<16xf32>
      %broadcast_in_dim3A_100 = arith.constant 5 : i32
      %broadcast_in_dim3A_101 = vector.broadcast %broadcast_in_dim3A_100 : i32 to vector<16xi32>
      %gather3A_102 = tpu.vector_load_idx %arg9[%add3A_79, %broadcast_in_dim3A_101] : memref<128x16xf32, #tpu.memory_space<vmem>>[vector<16xi32>, vector<16xi32>], vector<16xf32>,
      %add3A_103 = arith.addf %add3A_99, %gather3A_102 : vector<16xf32>
      %broadcast_in_dim3A_104 = arith.constant 6 : i32
      %broadcast_in_dim3A_105 = vector.broadcast %broadcast_in_dim3A_104 : i32 to vector<16xi32>
      %gather3A_106 = tpu.vector_load_idx %arg9[%add3A_79, %broadcast_in_dim3A_105] : memref<128x16xf32, #tpu.memory_space<vmem>>[vector<16xi32>, vector<16xi32>], vector<16xf32>,
      %add3A_107 = arith.addf %add3A_103, %gather3A_106 : vector<16xf32>
      %broadcast_in_dim3A_108 = arith.constant 7 : i32
      %broadcast_in_dim3A_109 = vector.broadcast %broadcast_in_dim3A_108 : i32 to vector<16xi32>
      %gather3A_110 = tpu.vector_load_idx %arg9[%add3A_79, %broadcast_in_dim3A_109] : memref<128x16xf32, #tpu.memory_space<vmem>>[vector<16xi32>, vector<16xi32>], vector<16xf32>,
      %add3A_111 = arith.addf %add3A_107, %gather3A_110 : vector<16xf32>
      %broadcast_in_dim3A_112 = arith.constant 8 : i32
      %broadcast_in_dim3A_113 = vector.broadcast %broadcast_in_dim3A_112 : i32 to vector<16xi32>
      %gather3A_114 = tpu.vector_load_idx %arg9[%add3A_79, %broadcast_in_dim3A_113] : memref<128x16xf32, #tpu.memory_space<vmem>>[vector<16xi32>, vector<16xi32>], vector<16xf32>,
      %add3A_115 = arith.addf %add3A_111, %gather3A_114 : vector<16xf32>
      %broadcast_in_dim3A_116 = arith.constant 9 : i32
      %broadcast_in_dim3A_117 = vector.broadcast %broadcast_in_dim3A_116 : i32 to vector<16xi32>
      %gather3A_118 = tpu.vector_load_idx %arg9[%add3A_79, %broadcast_in_dim3A_117] : memref<128x16xf32, #tpu.memory_space<vmem>>[vector<16xi32>, vector<16xi32>], vector<16xf32>,
      %add3A_119 = arith.addf %add3A_115, %gather3A_118 : vector<16xf32>
      %broadcast_in_dim3A_120 = arith.constant 10 : i32
      %broadcast_in_dim3A_121 = vector.broadcast %broadcast_in_dim3A_120 : i32 to vector<16xi32>
      %gather3A_122 = tpu.vector_load_idx %arg9[%add3A_79, %broadcast_in_dim3A_121] : memref<128x16xf32, #tpu.memory_space<vmem>>[vector<16xi32>, vector<16xi32>], vector<16xf32>,
      %add3A_123 = arith.addf %add3A_119, %gather3A_122 : vector<16xf32>
      %broadcast_in_dim3A_124 = arith.constant 11 : i32
      %broadcast_in_dim3A_125 = vector.broadcast %broadcast_in_dim3A_124 : i32 to vector<16xi32>
      %gather3A_126 = tpu.vector_load_idx %arg9[%add3A_79, %broadcast_in_dim3A_125] : memref<128x16xf32, #tpu.memory_space<vmem>>[vector<16xi32>, vector<16xi32>], vector<16xf32>,
      %add3A_127 = arith.addf %add3A_123, %gather3A_126 : vector<16xf32>
      %broadcast_in_dim3A_128 = arith.constant 12 : i32
      %broadcast_in_dim3A_129 = vector.broadcast %broadcast_in_dim3A_128 : i32 to vector<16xi32>
      %gather3A_130 = tpu.vector_load_idx %arg9[%add3A_79, %broadcast_in_dim3A_129] : memref<128x16xf32, #tpu.memory_space<vmem>>[vector<16xi32>, vector<16xi32>], vector<16xf32>,
      %add3A_131 = arith.addf %add3A_127, %gather3A_130 : vector<16xf32>
      %broadcast_in_dim3A_132 = arith.constant 13 : i32
      %broadcast_in_dim3A_133 = vector.broadcast %broadcast_in_dim3A_132 : i32 to vector<16xi32>
      %gather3A_134 = tpu.vector_load_idx %arg9[%add3A_79, %broadcast_in_dim3A_133] : memref<128x16xf32, #tpu.memory_space<vmem>>[vector<16xi32>, vector<16xi32>], vector<16xf32>,
      %add3A_135 = arith.addf %add3A_131, %gather3A_134 : vector<16xf32>
      %broadcast_in_dim3A_136 = arith.constant 14 : i32
      %broadcast_in_dim3A_137 = vector.broadcast %broadcast_in_dim3A_136 : i32 to vector<16xi32>
      %gather3A_138 = tpu.vector_load_idx %arg9[%add3A_79, %broadcast_in_dim3A_137] : memref<128x16xf32, #tpu.memory_space<vmem>>[vector<16xi32>, vector<16xi32>], vector<16xf32>,
      %add3A_139 = arith.addf %add3A_135, %gather3A_138 : vector<16xf32>
      %broadcast_in_dim3A_140 = arith.constant 15 : i32
      %broadcast_in_dim3A_141 = vector.broadcast %broadcast_in_dim3A_140 : i32 to vector<16xi32>
      %gather3A_142 = tpu.vector_load_idx %arg9[%add3A_79, %broadcast_in_dim3A_141] : memref<128x16xf32, #tpu.memory_space<vmem>>[vector<16xi32>, vector<16xi32>], vector<16xf32>,
      %add3A_143 = arith.addf %add3A_139, %gather3A_142 : vector<16xf32>
      %broadcast_in_dim3A_144 = arith.constant 0.000000e+00 : f32
      %broadcast_in_dim3A_145 = vector.broadcast %broadcast_in_dim3A_144 : f32 to vector<16xf32>
      %mul3A_146 = arith.constant 26 : i32
      %mul3A_147 = vector.broadcast %mul3A_146 : i32 to vector<16xi32>
      %mul3A_148 = arith.muli %add3A_79, %mul3A_147 : vector<16xi32>
      %add3A_149 = arith.constant 0 : i32
      %add3A_150 = vector.broadcast %add3A_149 : i32 to vector<16xi32>
      %add3A_151 = arith.addi %mul3A_148, %add3A_150 : vector<16xi32>
      %gather3A_152 = tpu.vector_load_idx %arg8[%add3A_151] : memref<3328xf32, #tpu.memory_space<vmem>>[vector<16xi32>], vector<16xf32>,
      %add3A_153 = arith.addf %broadcast_in_dim3A_145, %gather3A_152 : vector<16xf32>
      %mul3A_154 = arith.constant 26 : i32
      %mul3A_155 = vector.broadcast %mul3A_154 : i32 to vector<16xi32>
      %mul3A_156 = arith.muli %add3A_79, %mul3A_155 : vector<16xi32>
      %add3A_157 = arith.constant 1 : i32
      %add3A_158 = vector.broadcast %add3A_157 : i32 to vector<16xi32>
      %add3A_159 = arith.addi %mul3A_156, %add3A_158 : vector<16xi32>
      %gather3A_160 = tpu.vector_load_idx %arg8[%add3A_159] : memref<3328xf32, #tpu.memory_space<vmem>>[vector<16xi32>], vector<16xf32>,
      %add3A_161 = arith.addf %add3A_153, %gather3A_160 : vector<16xf32>
      %mul3A_162 = arith.constant 26 : i32
      %mul3A_163 = vector.broadcast %mul3A_162 : i32 to vector<16xi32>
      %mul3A_164 = arith.muli %add3A_79, %mul3A_163 : vector<16xi32>
      %add3A_165 = arith.constant 2 : i32
      %add3A_166 = vector.broadcast %add3A_165 : i32 to vector<16xi32>
      %add3A_167 = arith.addi %mul3A_164, %add3A_166 : vector<16xi32>
      %gather3A_168 = tpu.vector_load_idx %arg8[%add3A_167] : memref<3328xf32, #tpu.memory_space<vmem>>[vector<16xi32>], vector<16xf32>,
      %add3A_169 = arith.addf %add3A_161, %gather3A_168 : vector<16xf32>
      %mul3A_170 = arith.constant 26 : i32
      %mul3A_171 = vector.broadcast %mul3A_170 : i32 to vector<16xi32>
      %mul3A_172 = arith.muli %add3A_79, %mul3A_171 : vector<16xi32>
      %add3A_173 = arith.constant 3 : i32
      %add3A_174 = vector.broadcast %add3A_173 : i32 to vector<16xi32>
      %add3A_175 = arith.addi %mul3A_172, %add3A_174 : vector<16xi32>
      %gather3A_176 = tpu.vector_load_idx %arg8[%add3A_175] : memref<3328xf32, #tpu.memory_space<vmem>>[vector<16xi32>], vector<16xf32>,
      %add3A_177 = arith.addf %add3A_169, %gather3A_176 : vector<16xf32>
      %mul3A_178 = arith.constant 26 : i32
      %mul3A_179 = vector.broadcast %mul3A_178 : i32 to vector<16xi32>
      %mul3A_180 = arith.muli %add3A_79, %mul3A_179 : vector<16xi32>
      %add3A_181 = arith.constant 4 : i32
      %add3A_182 = vector.broadcast %add3A_181 : i32 to vector<16xi32>
      %add3A_183 = arith.addi %mul3A_180, %add3A_182 : vector<16xi32>
      %gather3A_184 = tpu.vector_load_idx %arg8[%add3A_183] : memref<3328xf32, #tpu.memory_space<vmem>>[vector<16xi32>], vector<16xf32>,
      %add3A_185 = arith.addf %add3A_177, %gather3A_184 : vector<16xf32>
      %mul3A_186 = arith.constant 26 : i32
      %mul3A_187 = vector.broadcast %mul3A_186 : i32 to vector<16xi32>
      %mul3A_188 = arith.muli %add3A_79, %mul3A_187 : vector<16xi32>
      %add3A_189 = arith.constant 5 : i32
      %add3A_190 = vector.broadcast %add3A_189 : i32 to vector<16xi32>
      %add3A_191 = arith.addi %mul3A_188, %add3A_190 : vector<16xi32>
      %gather3A_192 = tpu.vector_load_idx %arg8[%add3A_191] : memref<3328xf32, #tpu.memory_space<vmem>>[vector<16xi32>], vector<16xf32>,
      %add3A_193 = arith.addf %add3A_185, %gather3A_192 : vector<16xf32>
      %mul3A_194 = arith.constant 26 : i32
      %mul3A_195 = vector.broadcast %mul3A_194 : i32 to vector<16xi32>
      %mul3A_196 = arith.muli %add3A_79, %mul3A_195 : vector<16xi32>
      %add3A_197 = arith.constant 6 : i32
      %add3A_198 = vector.broadcast %add3A_197 : i32 to vector<16xi32>
      %add3A_199 = arith.addi %mul3A_196, %add3A_198 : vector<16xi32>
      %gather3A_200 = tpu.vector_load_idx %arg8[%add3A_199] : memref<3328xf32, #tpu.memory_space<vmem>>[vector<16xi32>], vector<16xf32>,
      %add3A_201 = arith.addf %add3A_193, %gather3A_200 : vector<16xf32>
      %mul3A_202 = arith.constant 26 : i32
      %mul3A_203 = vector.broadcast %mul3A_202 : i32 to vector<16xi32>
      %mul3A_204 = arith.muli %add3A_79, %mul3A_203 : vector<16xi32>
      %add3A_205 = arith.constant 7 : i32
      %add3A_206 = vector.broadcast %add3A_205 : i32 to vector<16xi32>
      %add3A_207 = arith.addi %mul3A_204, %add3A_206 : vector<16xi32>
      %gather3A_208 = tpu.vector_load_idx %arg8[%add3A_207] : memref<3328xf32, #tpu.memory_space<vmem>>[vector<16xi32>], vector<16xf32>,
      %add3A_209 = arith.addf %add3A_201, %gather3A_208 : vector<16xf32>
      %mul3A_210 = arith.constant 26 : i32
      %mul3A_211 = vector.broadcast %mul3A_210 : i32 to vector<16xi32>
      %mul3A_212 = arith.muli %add3A_79, %mul3A_211 : vector<16xi32>
      %add3A_213 = arith.constant 8 : i32
      %add3A_214 = vector.broadcast %add3A_213 : i32 to vector<16xi32>
      %add3A_215 = arith.addi %mul3A_212, %add3A_214 : vector<16xi32>
      %gather3A_216 = tpu.vector_load_idx %arg8[%add3A_215] : memref<3328xf32, #tpu.memory_space<vmem>>[vector<16xi32>], vector<16xf32>,
      %add3A_217 = arith.addf %add3A_209, %gather3A_216 : vector<16xf32>
      %mul3A_218 = arith.constant 26 : i32
      %mul3A_219 = vector.broadcast %mul3A_218 : i32 to vector<16xi32>
      %mul3A_220 = arith.muli %add3A_79, %mul3A_219 : vector<16xi32>
      %add3A_221 = arith.constant 9 : i32
      %add3A_222 = vector.broadcast %add3A_221 : i32 to vector<16xi32>
      %add3A_223 = arith.addi %mul3A_220, %add3A_222 : vector<16xi32>
      %gather3A_224 = tpu.vector_load_idx %arg8[%add3A_223] : memref<3328xf32, #tpu.memory_space<vmem>>[vector<16xi32>], vector<16xf32>,
      %add3A_225 = arith.addf %add3A_217, %gather3A_224 : vector<16xf32>
      %mul3A_226 = arith.constant 26 : i32
      %mul3A_227 = vector.broadcast %mul3A_226 : i32 to vector<16xi32>
      %mul3A_228 = arith.muli %add3A_79, %mul3A_227 : vector<16xi32>
      %add3A_229 = arith.constant 10 : i32
      %add3A_230 = vector.broadcast %add3A_229 : i32 to vector<16xi32>
      %add3A_231 = arith.addi %mul3A_228, %add3A_230 : vector<16xi32>
      %gather3A_232 = tpu.vector_load_idx %arg8[%add3A_231] : memref<3328xf32, #tpu.memory_space<vmem>>[vector<16xi32>], vector<16xf32>,
      %add3A_233 = arith.addf %add3A_225, %gather3A_232 : vector<16xf32>
      %mul3A_234 = arith.constant 26 : i32
      %mul3A_235 = vector.broadcast %mul3A_234 : i32 to vector<16xi32>
      %mul3A_236 = arith.muli %add3A_79, %mul3A_235 : vector<16xi32>
      %add3A_237 = arith.constant 11 : i32
      %add3A_238 = vector.broadcast %add3A_237 : i32 to vector<16xi32>
      %add3A_239 = arith.addi %mul3A_236, %add3A_238 : vector<16xi32>
      %gather3A_240 = tpu.vector_load_idx %arg8[%add3A_239] : memref<3328xf32, #tpu.memory_space<vmem>>[vector<16xi32>], vector<16xf32>,
      %add3A_241 = arith.addf %add3A_233, %gather3A_240 : vector<16xf32>
      %mul3A_242 = arith.constant 26 : i32
      %mul3A_243 = vector.broadcast %mul3A_242 : i32 to vector<16xi32>
      %mul3A_244 = arith.muli %add3A_79, %mul3A_243 : vector<16xi32>
      %add3A_245 = arith.constant 12 : i32
      %add3A_246 = vector.broadcast %add3A_245 : i32 to vector<16xi32>
      %add3A_247 = arith.addi %mul3A_244, %add3A_246 : vector<16xi32>
      %gather3A_248 = tpu.vector_load_idx %arg8[%add3A_247] : memref<3328xf32, #tpu.memory_space<vmem>>[vector<16xi32>], vector<16xf32>,
      %add3A_249 = arith.addf %add3A_241, %gather3A_248 : vector<16xf32>
      %mul3A_250 = arith.constant 26 : i32
      %mul3A_251 = vector.broadcast %mul3A_250 : i32 to vector<16xi32>
      %mul3A_252 = arith.muli %add3A_79, %mul3A_251 : vector<16xi32>
      %add3A_253 = arith.constant 13 : i32
      %add3A_254 = vector.broadcast %add3A_253 : i32 to vector<16xi32>
      %add3A_255 = arith.addi %mul3A_252, %add3A_254 : vector<16xi32>
      %gather3A_256 = tpu.vector_load_idx %arg8[%add3A_255] : memref<3328xf32, #tpu.memory_space<vmem>>[vector<16xi32>], vector<16xf32>,
      %add3A_257 = arith.addf %add3A_249, %gather3A_256 : vector<16xf32>
      %mul3A_258 = arith.constant 26 : i32
      %mul3A_259 = vector.broadcast %mul3A_258 : i32 to vector<16xi32>
      %mul3A_260 = arith.muli %add3A_79, %mul3A_259 : vector<16xi32>
      %add3A_261 = arith.constant 14 : i32
      %add3A_262 = vector.broadcast %add3A_261 : i32 to vector<16xi32>
      %add3A_263 = arith.addi %mul3A_260, %add3A_262 : vector<16xi32>
      %gather3A_264 = tpu.vector_load_idx %arg8[%add3A_263] : memref<3328xf32, #tpu.memory_space<vmem>>[vector<16xi32>], vector<16xf32>,
      %add3A_265 = arith.addf %add3A_257, %gather3A_264 : vector<16xf32>
      %mul3A_266 = arith.constant 26 : i32
      %mul3A_267 = vector.broadcast %mul3A_266 : i32 to vector<16xi32>
      %mul3A_268 = arith.muli %add3A_79, %mul3A_267 : vector<16xi32>
      %add3A_269 = arith.constant 15 : i32
      %add3A_270 = vector.broadcast %add3A_269 : i32 to vector<16xi32>
      %add3A_271 = arith.addi %mul3A_268, %add3A_270 : vector<16xi32>
      %gather3A_272 = tpu.vector_load_idx %arg8[%add3A_271] : memref<3328xf32, #tpu.memory_space<vmem>>[vector<16xi32>], vector<16xf32>,
      %add3A_273 = arith.addf %add3A_265, %gather3A_272 : vector<16xf32>
      %mul3A_274 = arith.constant 26 : i32
      %mul3A_275 = vector.broadcast %mul3A_274 : i32 to vector<16xi32>
      %mul3A_276 = arith.muli %add3A_79, %mul3A_275 : vector<16xi32>
      %add3A_277 = arith.constant 16 : i32
      %add3A_278 = vector.broadcast %add3A_277 : i32 to vector<16xi32>
      %add3A_279 = arith.addi %mul3A_276, %add3A_278 : vector<16xi32>
      %gather3A_280 = tpu.vector_load_idx %arg8[%add3A_279] : memref<3328xf32, #tpu.memory_space<vmem>>[vector<16xi32>], vector<16xf32>,
      %add3A_281 = arith.addf %add3A_273, %gather3A_280 : vector<16xf32>
      %mul3A_282 = arith.constant 26 : i32
      %mul3A_283 = vector.broadcast %mul3A_282 : i32 to vector<16xi32>
      %mul3A_284 = arith.muli %add3A_79, %mul3A_283 : vector<16xi32>
      %add3A_285 = arith.constant 17 : i32
      %add3A_286 = vector.broadcast %add3A_285 : i32 to vector<16xi32>
      %add3A_287 = arith.addi %mul3A_284, %add3A_286 : vector<16xi32>
      %gather3A_288 = tpu.vector_load_idx %arg8[%add3A_287] : memref<3328xf32, #tpu.memory_space<vmem>>[vector<16xi32>], vector<16xf32>,
      %add3A_289 = arith.addf %add3A_281, %gather3A_288 : vector<16xf32>
      %mul3A_290 = arith.constant 26 : i32
      %mul3A_291 = vector.broadcast %mul3A_290 : i32 to vector<16xi32>
      %mul3A_292 = arith.muli %add3A_79, %mul3A_291 : vector<16xi32>
      %add3A_293 = arith.constant 18 : i32
      %add3A_294 = vector.broadcast %add3A_293 : i32 to vector<16xi32>
      %add3A_295 = arith.addi %mul3A_292, %add3A_294 : vector<16xi32>
      %gather3A_296 = tpu.vector_load_idx %arg8[%add3A_295] : memref<3328xf32, #tpu.memory_space<vmem>>[vector<16xi32>], vector<16xf32>,
      %add3A_297 = arith.addf %add3A_289, %gather3A_296 : vector<16xf32>
      %mul3A_298 = arith.constant 26 : i32
      %mul3A_299 = vector.broadcast %mul3A_298 : i32 to vector<16xi32>
      %mul3A_300 = arith.muli %add3A_79, %mul3A_299 : vector<16xi32>
      %add3A_301 = arith.constant 19 : i32
      %add3A_302 = vector.broadcast %add3A_301 : i32 to vector<16xi32>
      %add3A_303 = arith.addi %mul3A_300, %add3A_302 : vector<16xi32>
      %gather3A_304 = tpu.vector_load_idx %arg8[%add3A_303] : memref<3328xf32, #tpu.memory_space<vmem>>[vector<16xi32>], vector<16xf32>,
      %add3A_305 = arith.addf %add3A_297, %gather3A_304 : vector<16xf32>
      %mul3A_306 = arith.constant 26 : i32
      %mul3A_307 = vector.broadcast %mul3A_306 : i32 to vector<16xi32>
      %mul3A_308 = arith.muli %add3A_79, %mul3A_307 : vector<16xi32>
      %add3A_309 = arith.constant 20 : i32
      %add3A_310 = vector.broadcast %add3A_309 : i32 to vector<16xi32>
      %add3A_311 = arith.addi %mul3A_308, %add3A_310 : vector<16xi32>
      %gather3A_312 = tpu.vector_load_idx %arg8[%add3A_311] : memref<3328xf32, #tpu.memory_space<vmem>>[vector<16xi32>], vector<16xf32>,
      %add3A_313 = arith.addf %add3A_305, %gather3A_312 : vector<16xf32>
      %mul3A_314 = arith.constant 26 : i32
      %mul3A_315 = vector.broadcast %mul3A_314 : i32 to vector<16xi32>
      %mul3A_316 = arith.muli %add3A_79, %mul3A_315 : vector<16xi32>
      %add3A_317 = arith.constant 21 : i32
      %add3A_318 = vector.broadcast %add3A_317 : i32 to vector<16xi32>
      %add3A_319 = arith.addi %mul3A_316, %add3A_318 : vector<16xi32>
      %gather3A_320 = tpu.vector_load_idx %arg8[%add3A_319] : memref<3328xf32, #tpu.memory_space<vmem>>[vector<16xi32>], vector<16xf32>,
      %add3A_321 = arith.addf %add3A_313, %gather3A_320 : vector<16xf32>
      %mul3A_322 = arith.constant 26 : i32
      %mul3A_323 = vector.broadcast %mul3A_322 : i32 to vector<16xi32>
      %mul3A_324 = arith.muli %add3A_79, %mul3A_323 : vector<16xi32>
      %add3A_325 = arith.constant 22 : i32
      %add3A_326 = vector.broadcast %add3A_325 : i32 to vector<16xi32>
      %add3A_327 = arith.addi %mul3A_324, %add3A_326 : vector<16xi32>
      %gather3A_328 = tpu.vector_load_idx %arg8[%add3A_327] : memref<3328xf32, #tpu.memory_space<vmem>>[vector<16xi32>], vector<16xf32>,
      %add3A_329 = arith.addf %add3A_321, %gather3A_328 : vector<16xf32>
      %mul3A_330 = arith.constant 26 : i32
      %mul3A_331 = vector.broadcast %mul3A_330 : i32 to vector<16xi32>
      %mul3A_332 = arith.muli %add3A_79, %mul3A_331 : vector<16xi32>
      %add3A_333 = arith.constant 23 : i32
      %add3A_334 = vector.broadcast %add3A_333 : i32 to vector<16xi32>
      %add3A_335 = arith.addi %mul3A_332, %add3A_334 : vector<16xi32>
      %gather3A_336 = tpu.vector_load_idx %arg8[%add3A_335] : memref<3328xf32, #tpu.memory_space<vmem>>[vector<16xi32>], vector<16xf32>,
      %add3A_337 = arith.addf %add3A_329, %gather3A_336 : vector<16xf32>
      %mul3A_338 = arith.constant 26 : i32
      %mul3A_339 = vector.broadcast %mul3A_338 : i32 to vector<16xi32>
      %mul3A_340 = arith.muli %add3A_79, %mul3A_339 : vector<16xi32>
      %add3A_341 = arith.constant 24 : i32
      %add3A_342 = vector.broadcast %add3A_341 : i32 to vector<16xi32>
      %add3A_343 = arith.addi %mul3A_340, %add3A_342 : vector<16xi32>
      %gather3A_344 = tpu.vector_load_idx %arg8[%add3A_343] : memref<3328xf32, #tpu.memory_space<vmem>>[vector<16xi32>], vector<16xf32>,
      %add3A_345 = arith.addf %add3A_337, %gather3A_344 : vector<16xf32>
      %mul3A_346 = arith.constant 26 : i32
      %mul3A_347 = vector.broadcast %mul3A_346 : i32 to vector<16xi32>
      %mul3A_348 = arith.muli %add3A_79, %mul3A_347 : vector<16xi32>
      %add3A_349 = arith.constant 25 : i32
      %add3A_350 = vector.broadcast %add3A_349 : i32 to vector<16xi32>
      %add3A_351 = arith.addi %mul3A_348, %add3A_350 : vector<16xi32>
      %gather3A_352 = tpu.vector_load_idx %arg8[%add3A_351] : memref<3328xf32, #tpu.memory_space<vmem>>[vector<16xi32>], vector<16xf32>,
      %add3A_353 = arith.addf %add3A_345, %gather3A_352 : vector<16xf32>
      %mul3A_354 = arith.constant 5.000000e-01 : f32
      %mul3A_355 = vector.broadcast %mul3A_354 : f32 to vector<16xf32>
      %mul3A_356 = arith.mulf %mul3A_355, %add3A_143 : vector<16xf32>
      %add3A_357 = arith.addf %mul3A_356, %add3A_353 : vector<16xf32>
      %swap3A = arith.index_cast %mul3A_77 : i32 to index
      %swap3A_358 = tpu.vector_load %arg10[%swap3A] {strides = array<i32>} : memref<128xf32, #tpu.memory_space<vmem>>, vector<16xf32>,
      tpu.vector_store %arg10[%swap3A], %add3A_357 {strides = array<i32>} : memref<128xf32, #tpu.memory_space<vmem>>, vector<16xf32>,
    }
    %scan3A_72 = arith.constant 8 : i32
    %mul3A_73 = arith.constant 128 : i32
    %mul3A_74 = arith.muli %add3A, %mul3A_73 : i32
    "tpu.region"() ({
      %run_scoped3A = tpu.sem_alloc : memref<!tpu.dma_semaphore, #tpu.memory_space<semaphore_mem>>
      %dma_start3A = tpu.memref_slice %arg5[%mul3A_74] : memref<4096xf32, #tpu.memory_space<hbm>> -> memref<128xf32, #tpu.memory_space<hbm>>
      %dma_start3A_75 = tpu.memref_slice %arg5[%mul3A_74] : memref<4096xf32, #tpu.memory_space<hbm>> -> memref<128xf32, #tpu.memory_space<hbm>>
      tpu.enqueue_dma source(%arg10 : memref<128xf32, #tpu.memory_space<vmem>>) target(%dma_start3A_75 : memref<128xf32, #tpu.memory_space<hbm>>) target_semaphore(%run_scoped3A : memref<!tpu.dma_semaphore, #tpu.memory_space<semaphore_mem>>)
      %dma_wait3A_76 = tpu.memref_slice %arg5[%mul3A_74] : memref<4096xf32, #tpu.memory_space<hbm>> -> memref<128xf32, #tpu.memory_space<hbm>>
      %dma_wait3A_77 = tpu.memref_slice %arg5[%mul3A_74] : memref<4096xf32, #tpu.memory_space<hbm>> -> memref<128xf32, #tpu.memory_space<hbm>>
      tpu.wait_dma2 semaphore(%run_scoped3A : memref<!tpu.dma_semaphore, #tpu.memory_space<semaphore_mem>>) src(%arg10 : memref<128xf32, #tpu.memory_space<vmem>>) dst(%dma_wait3A_77 : memref<128xf32, #tpu.memory_space<hbm>>)
      tpu.yield
    }) : () -> ()
    return
  }
}

module attributes {stable_mosaic.version = 14 : i64} {
  func.func @_tp_body(%arg0: i32, %arg1: memref<16x8192xf32, #tpu.memory_space<vmem>>, %arg2: memref<1024x128xf32, #tpu.memory_space<vmem>>) attributes {dimension_semantics = [#tpu.dimension_semantics<arbitrary>], iteration_bounds = array<i64: 318>, scalar_prefetch = 0 : i64, scratch_operands = 0 : i64, tpu.core_type = #tpu.core_type<tc>, window_params = [{transform_indices = @transform_0, window_bounds = array<i64: 16, 8192>}, {transform_indices = @transform_1, window_bounds = array<i64: 1024, 128>}]} {
    %iota3A = tpu.iota {dimensions = array<i32: 1>} : vector<16x128xi32>
    %iota3A_0 = tpu.iota {dimensions = array<i32: 0>} : vector<16x128xi32>
    %rem3A = arith.constant 16 : i32
    %rem3A_1 = vector.broadcast %rem3A : i32 to vector<16x128xi32>
    %rem3A_2 = arith.remsi %iota3A, %rem3A_1 : vector<16x128xi32>
    %eq3A = arith.cmpi eq, %rem3A_2, %iota3A_0 : vector<16x128xi32>
    %convert_element_type3A = arith.extui %eq3A : vector<16x128xi1> to vector<16x128xi32>
    %convert_element_type3A_3 = arith.sitofp %convert_element_type3A : vector<16x128xi32> to vector<16x128xf32>
    %mul3A = arith.constant 1.000000e+00 : f32
    %mul3A_4 = vector.broadcast %mul3A : f32 to vector<16x128xf32>
    %mul3A_5 = arith.mulf %mul3A_4, %convert_element_type3A_3 : vector<16x128xf32>
    %get3A = arith.constant 0 : index
    %get3A_6 = arith.constant 0 : index
    %get3A_7 = vector.load %arg1[%get3A, %get3A_6] : memref<16x8192xf32, #tpu.memory_space<vmem>>, vector<16x8192xf32>
    %dot_general3A = arith.constant dense<0.000000e+00> : vector<8192x128xf32>
    %dot_general3A_8 = tpu.matmul %get3A_7, %mul3A_5, %dot_general3A {dimension_numbers = #tpu.dot_dimension_numbers<[0], [0], [1], [1], [0, 1, 1, 1], [], []>, transpose_lhs_hint = false} : vector<16x8192xf32>, vector<16x128xf32>, vector<8192x128xf32> -> vector<8192x128xf32>
    %reshape3A = vector.shape_cast %dot_general3A_8 : vector<8192x128xf32> to vector<1024x8x128xf32>
    %broadcast_in_dim3A = arith.constant 0.000000e+00 : f32
    %broadcast_in_dim3A_9 = vector.broadcast %broadcast_in_dim3A : f32 to vector<1024x128xf32>
    %iota3A_10 = tpu.iota {dimensions = array<i32: 1>} : vector<1024x128xi32>
    %jit3A = arith.constant 16 : i32
    %div3A = vector.broadcast %jit3A : i32 to vector<1024x128xi32>
    %div3A_11 = arith.divsi %iota3A_10, %div3A : vector<1024x128xi32>
    %sign3A = arith.constant 0 : i32
    %sign3A_12 = vector.broadcast %sign3A : i32 to vector<1024x128xi32>
    %sign3A_13 = arith.cmpi sgt, %iota3A_10, %sign3A_12 : vector<1024x128xi32>
    %sign3A_14 = arith.extui %sign3A_13 : vector<1024x128xi1> to vector<1024x128xi32>
    %sign3A_15 = arith.constant 0 : i32
    %sign3A_16 = vector.broadcast %sign3A_15 : i32 to vector<1024x128xi32>
    %sign3A_17 = arith.cmpi slt, %iota3A_10, %sign3A_16 : vector<1024x128xi32>
    %sign3A_18 = arith.extui %sign3A_17 : vector<1024x128xi1> to vector<1024x128xi32>
    %sign3A_19 = arith.subi %sign3A_14, %sign3A_18 : vector<1024x128xi32>
    %sign3A_20 = arith.constant 0 : i32
    %sign3A_21 = arith.cmpi sgt, %jit3A, %sign3A_20 : i32
    %sign3A_22 = arith.extui %sign3A_21 : i1 to i32
    %sign3A_23 = arith.constant 0 : i32
    %sign3A_24 = arith.cmpi slt, %jit3A, %sign3A_23 : i32
    %sign3A_25 = arith.extui %sign3A_24 : i1 to i32
    %sign3A_26 = arith.subi %sign3A_22, %sign3A_25 : i32
    %ne3A = vector.broadcast %sign3A_26 : i32 to vector<1024x128xi32>
    %ne3A_27 = arith.cmpi ne, %sign3A_19, %ne3A : vector<1024x128xi32>
    %rem3A_28 = vector.broadcast %jit3A : i32 to vector<1024x128xi32>
    %rem3A_29 = arith.remsi %iota3A_10, %rem3A_28 : vector<1024x128xi32>
    %ne3A_30 = arith.constant 0 : i32
    %ne3A_31 = vector.broadcast %ne3A_30 : i32 to vector<1024x128xi32>
    %ne3A_32 = arith.cmpi ne, %rem3A_29, %ne3A_31 : vector<1024x128xi32>
    %and3A = arith.andi %ne3A_27, %ne3A_32 : vector<1024x128xi1>
    %sub3A = arith.constant 1 : i32
    %sub3A_33 = vector.broadcast %sub3A : i32 to vector<1024x128xi32>
    %sub3A_34 = arith.subi %div3A_11, %sub3A_33 : vector<1024x128xi32>
    %select_n3A = arith.select %and3A, %sub3A_34, %div3A_11 : vector<1024x128xi1>, vector<1024x128xi32>
    %eq3A_35 = arith.constant 0 : i32
    %eq3A_36 = vector.broadcast %eq3A_35 : i32 to vector<1024x128xi32>
    %eq3A_37 = arith.cmpi eq, %select_n3A, %eq3A_36 : vector<1024x128xi32>
    %slice3A = vector.extract_strided_slice %reshape3A {offsets = [0, 0, 0], sizes = [1024, 1, 128], strides = [1, 1, 1]} : vector<1024x8x128xf32> to vector<1024x1x128xf32>
    %squeeze3A = vector.shape_cast %slice3A : vector<1024x1x128xf32> to vector<1024x128xf32>
    %select_n3A_38 = arith.select %eq3A_37, %squeeze3A, %broadcast_in_dim3A_9 : vector<1024x128xi1>, vector<1024x128xf32>
    %jit3A_39 = arith.constant 16 : i32
    %div3A_40 = vector.broadcast %jit3A_39 : i32 to vector<1024x128xi32>
    %div3A_41 = arith.divsi %iota3A_10, %div3A_40 : vector<1024x128xi32>
    %sign3A_42 = arith.constant 0 : i32
    %sign3A_43 = vector.broadcast %sign3A_42 : i32 to vector<1024x128xi32>
    %sign3A_44 = arith.cmpi sgt, %iota3A_10, %sign3A_43 : vector<1024x128xi32>
    %sign3A_45 = arith.extui %sign3A_44 : vector<1024x128xi1> to vector<1024x128xi32>
    %sign3A_46 = arith.constant 0 : i32
    %sign3A_47 = vector.broadcast %sign3A_46 : i32 to vector<1024x128xi32>
    %sign3A_48 = arith.cmpi slt, %iota3A_10, %sign3A_47 : vector<1024x128xi32>
    %sign3A_49 = arith.extui %sign3A_48 : vector<1024x128xi1> to vector<1024x128xi32>
    %sign3A_50 = arith.subi %sign3A_45, %sign3A_49 : vector<1024x128xi32>
    %sign3A_51 = arith.constant 0 : i32
    %sign3A_52 = arith.cmpi sgt, %jit3A_39, %sign3A_51 : i32
    %sign3A_53 = arith.extui %sign3A_52 : i1 to i32
    %sign3A_54 = arith.constant 0 : i32
    %sign3A_55 = arith.cmpi slt, %jit3A_39, %sign3A_54 : i32
    %sign3A_56 = arith.extui %sign3A_55 : i1 to i32
    %sign3A_57 = arith.subi %sign3A_53, %sign3A_56 : i32
    %ne3A_58 = vector.broadcast %sign3A_57 : i32 to vector<1024x128xi32>
    %ne3A_59 = arith.cmpi ne, %sign3A_50, %ne3A_58 : vector<1024x128xi32>
    %rem3A_60 = vector.broadcast %jit3A_39 : i32 to vector<1024x128xi32>
    %rem3A_61 = arith.remsi %iota3A_10, %rem3A_60 : vector<1024x128xi32>
    %ne3A_62 = arith.constant 0 : i32
    %ne3A_63 = vector.broadcast %ne3A_62 : i32 to vector<1024x128xi32>
    %ne3A_64 = arith.cmpi ne, %rem3A_61, %ne3A_63 : vector<1024x128xi32>
    %and3A_65 = arith.andi %ne3A_59, %ne3A_64 : vector<1024x128xi1>
    %sub3A_66 = arith.constant 1 : i32
    %sub3A_67 = vector.broadcast %sub3A_66 : i32 to vector<1024x128xi32>
    %sub3A_68 = arith.subi %div3A_41, %sub3A_67 : vector<1024x128xi32>
    %select_n3A_69 = arith.select %and3A_65, %sub3A_68, %div3A_41 : vector<1024x128xi1>, vector<1024x128xi32>
    %eq3A_70 = arith.constant 1 : i32
    %eq3A_71 = vector.broadcast %eq3A_70 : i32 to vector<1024x128xi32>
    %eq3A_72 = arith.cmpi eq, %select_n3A_69, %eq3A_71 : vector<1024x128xi32>
    %slice3A_73 = vector.extract_strided_slice %reshape3A {offsets = [0, 1, 0], sizes = [1024, 1, 128], strides = [1, 1, 1]} : vector<1024x8x128xf32> to vector<1024x1x128xf32>
    %squeeze3A_74 = vector.shape_cast %slice3A_73 : vector<1024x1x128xf32> to vector<1024x128xf32>
    %select_n3A_75 = arith.select %eq3A_72, %squeeze3A_74, %select_n3A_38 : vector<1024x128xi1>, vector<1024x128xf32>
    %jit3A_76 = arith.constant 16 : i32
    %div3A_77 = vector.broadcast %jit3A_76 : i32 to vector<1024x128xi32>
    %div3A_78 = arith.divsi %iota3A_10, %div3A_77 : vector<1024x128xi32>
    %sign3A_79 = arith.constant 0 : i32
    %sign3A_80 = vector.broadcast %sign3A_79 : i32 to vector<1024x128xi32>
    %sign3A_81 = arith.cmpi sgt, %iota3A_10, %sign3A_80 : vector<1024x128xi32>
    %sign3A_82 = arith.extui %sign3A_81 : vector<1024x128xi1> to vector<1024x128xi32>
    %sign3A_83 = arith.constant 0 : i32
    %sign3A_84 = vector.broadcast %sign3A_83 : i32 to vector<1024x128xi32>
    %sign3A_85 = arith.cmpi slt, %iota3A_10, %sign3A_84 : vector<1024x128xi32>
    %sign3A_86 = arith.extui %sign3A_85 : vector<1024x128xi1> to vector<1024x128xi32>
    %sign3A_87 = arith.subi %sign3A_82, %sign3A_86 : vector<1024x128xi32>
    %sign3A_88 = arith.constant 0 : i32
    %sign3A_89 = arith.cmpi sgt, %jit3A_76, %sign3A_88 : i32
    %sign3A_90 = arith.extui %sign3A_89 : i1 to i32
    %sign3A_91 = arith.constant 0 : i32
    %sign3A_92 = arith.cmpi slt, %jit3A_76, %sign3A_91 : i32
    %sign3A_93 = arith.extui %sign3A_92 : i1 to i32
    %sign3A_94 = arith.subi %sign3A_90, %sign3A_93 : i32
    %ne3A_95 = vector.broadcast %sign3A_94 : i32 to vector<1024x128xi32>
    %ne3A_96 = arith.cmpi ne, %sign3A_87, %ne3A_95 : vector<1024x128xi32>
    %rem3A_97 = vector.broadcast %jit3A_76 : i32 to vector<1024x128xi32>
    %rem3A_98 = arith.remsi %iota3A_10, %rem3A_97 : vector<1024x128xi32>
    %ne3A_99 = arith.constant 0 : i32
    %ne3A_100 = vector.broadcast %ne3A_99 : i32 to vector<1024x128xi32>
    %ne3A_101 = arith.cmpi ne, %rem3A_98, %ne3A_100 : vector<1024x128xi32>
    %and3A_102 = arith.andi %ne3A_96, %ne3A_101 : vector<1024x128xi1>
    %sub3A_103 = arith.constant 1 : i32
    %sub3A_104 = vector.broadcast %sub3A_103 : i32 to vector<1024x128xi32>
    %sub3A_105 = arith.subi %div3A_78, %sub3A_104 : vector<1024x128xi32>
    %select_n3A_106 = arith.select %and3A_102, %sub3A_105, %div3A_78 : vector<1024x128xi1>, vector<1024x128xi32>
    %eq3A_107 = arith.constant 2 : i32
    %eq3A_108 = vector.broadcast %eq3A_107 : i32 to vector<1024x128xi32>
    %eq3A_109 = arith.cmpi eq, %select_n3A_106, %eq3A_108 : vector<1024x128xi32>
    %slice3A_110 = vector.extract_strided_slice %reshape3A {offsets = [0, 2, 0], sizes = [1024, 1, 128], strides = [1, 1, 1]} : vector<1024x8x128xf32> to vector<1024x1x128xf32>
    %squeeze3A_111 = vector.shape_cast %slice3A_110 : vector<1024x1x128xf32> to vector<1024x128xf32>
    %select_n3A_112 = arith.select %eq3A_109, %squeeze3A_111, %select_n3A_75 : vector<1024x128xi1>, vector<1024x128xf32>
    %jit3A_113 = arith.constant 16 : i32
    %div3A_114 = vector.broadcast %jit3A_113 : i32 to vector<1024x128xi32>
    %div3A_115 = arith.divsi %iota3A_10, %div3A_114 : vector<1024x128xi32>
    %sign3A_116 = arith.constant 0 : i32
    %sign3A_117 = vector.broadcast %sign3A_116 : i32 to vector<1024x128xi32>
    %sign3A_118 = arith.cmpi sgt, %iota3A_10, %sign3A_117 : vector<1024x128xi32>
    %sign3A_119 = arith.extui %sign3A_118 : vector<1024x128xi1> to vector<1024x128xi32>
    %sign3A_120 = arith.constant 0 : i32
    %sign3A_121 = vector.broadcast %sign3A_120 : i32 to vector<1024x128xi32>
    %sign3A_122 = arith.cmpi slt, %iota3A_10, %sign3A_121 : vector<1024x128xi32>
    %sign3A_123 = arith.extui %sign3A_122 : vector<1024x128xi1> to vector<1024x128xi32>
    %sign3A_124 = arith.subi %sign3A_119, %sign3A_123 : vector<1024x128xi32>
    %sign3A_125 = arith.constant 0 : i32
    %sign3A_126 = arith.cmpi sgt, %jit3A_113, %sign3A_125 : i32
    %sign3A_127 = arith.extui %sign3A_126 : i1 to i32
    %sign3A_128 = arith.constant 0 : i32
    %sign3A_129 = arith.cmpi slt, %jit3A_113, %sign3A_128 : i32
    %sign3A_130 = arith.extui %sign3A_129 : i1 to i32
    %sign3A_131 = arith.subi %sign3A_127, %sign3A_130 : i32
    %ne3A_132 = vector.broadcast %sign3A_131 : i32 to vector<1024x128xi32>
    %ne3A_133 = arith.cmpi ne, %sign3A_124, %ne3A_132 : vector<1024x128xi32>
    %rem3A_134 = vector.broadcast %jit3A_113 : i32 to vector<1024x128xi32>
    %rem3A_135 = arith.remsi %iota3A_10, %rem3A_134 : vector<1024x128xi32>
    %ne3A_136 = arith.constant 0 : i32
    %ne3A_137 = vector.broadcast %ne3A_136 : i32 to vector<1024x128xi32>
    %ne3A_138 = arith.cmpi ne, %rem3A_135, %ne3A_137 : vector<1024x128xi32>
    %and3A_139 = arith.andi %ne3A_133, %ne3A_138 : vector<1024x128xi1>
    %sub3A_140 = arith.constant 1 : i32
    %sub3A_141 = vector.broadcast %sub3A_140 : i32 to vector<1024x128xi32>
    %sub3A_142 = arith.subi %div3A_115, %sub3A_141 : vector<1024x128xi32>
    %select_n3A_143 = arith.select %and3A_139, %sub3A_142, %div3A_115 : vector<1024x128xi1>, vector<1024x128xi32>
    %eq3A_144 = arith.constant 3 : i32
    %eq3A_145 = vector.broadcast %eq3A_144 : i32 to vector<1024x128xi32>
    %eq3A_146 = arith.cmpi eq, %select_n3A_143, %eq3A_145 : vector<1024x128xi32>
    %slice3A_147 = vector.extract_strided_slice %reshape3A {offsets = [0, 3, 0], sizes = [1024, 1, 128], strides = [1, 1, 1]} : vector<1024x8x128xf32> to vector<1024x1x128xf32>
    %squeeze3A_148 = vector.shape_cast %slice3A_147 : vector<1024x1x128xf32> to vector<1024x128xf32>
    %select_n3A_149 = arith.select %eq3A_146, %squeeze3A_148, %select_n3A_112 : vector<1024x128xi1>, vector<1024x128xf32>
    %jit3A_150 = arith.constant 16 : i32
    %div3A_151 = vector.broadcast %jit3A_150 : i32 to vector<1024x128xi32>
    %div3A_152 = arith.divsi %iota3A_10, %div3A_151 : vector<1024x128xi32>
    %sign3A_153 = arith.constant 0 : i32
    %sign3A_154 = vector.broadcast %sign3A_153 : i32 to vector<1024x128xi32>
    %sign3A_155 = arith.cmpi sgt, %iota3A_10, %sign3A_154 : vector<1024x128xi32>
    %sign3A_156 = arith.extui %sign3A_155 : vector<1024x128xi1> to vector<1024x128xi32>
    %sign3A_157 = arith.constant 0 : i32
    %sign3A_158 = vector.broadcast %sign3A_157 : i32 to vector<1024x128xi32>
    %sign3A_159 = arith.cmpi slt, %iota3A_10, %sign3A_158 : vector<1024x128xi32>
    %sign3A_160 = arith.extui %sign3A_159 : vector<1024x128xi1> to vector<1024x128xi32>
    %sign3A_161 = arith.subi %sign3A_156, %sign3A_160 : vector<1024x128xi32>
    %sign3A_162 = arith.constant 0 : i32
    %sign3A_163 = arith.cmpi sgt, %jit3A_150, %sign3A_162 : i32
    %sign3A_164 = arith.extui %sign3A_163 : i1 to i32
    %sign3A_165 = arith.constant 0 : i32
    %sign3A_166 = arith.cmpi slt, %jit3A_150, %sign3A_165 : i32
    %sign3A_167 = arith.extui %sign3A_166 : i1 to i32
    %sign3A_168 = arith.subi %sign3A_164, %sign3A_167 : i32
    %ne3A_169 = vector.broadcast %sign3A_168 : i32 to vector<1024x128xi32>
    %ne3A_170 = arith.cmpi ne, %sign3A_161, %ne3A_169 : vector<1024x128xi32>
    %rem3A_171 = vector.broadcast %jit3A_150 : i32 to vector<1024x128xi32>
    %rem3A_172 = arith.remsi %iota3A_10, %rem3A_171 : vector<1024x128xi32>
    %ne3A_173 = arith.constant 0 : i32
    %ne3A_174 = vector.broadcast %ne3A_173 : i32 to vector<1024x128xi32>
    %ne3A_175 = arith.cmpi ne, %rem3A_172, %ne3A_174 : vector<1024x128xi32>
    %and3A_176 = arith.andi %ne3A_170, %ne3A_175 : vector<1024x128xi1>
    %sub3A_177 = arith.constant 1 : i32
    %sub3A_178 = vector.broadcast %sub3A_177 : i32 to vector<1024x128xi32>
    %sub3A_179 = arith.subi %div3A_152, %sub3A_178 : vector<1024x128xi32>
    %select_n3A_180 = arith.select %and3A_176, %sub3A_179, %div3A_152 : vector<1024x128xi1>, vector<1024x128xi32>
    %eq3A_181 = arith.constant 4 : i32
    %eq3A_182 = vector.broadcast %eq3A_181 : i32 to vector<1024x128xi32>
    %eq3A_183 = arith.cmpi eq, %select_n3A_180, %eq3A_182 : vector<1024x128xi32>
    %slice3A_184 = vector.extract_strided_slice %reshape3A {offsets = [0, 4, 0], sizes = [1024, 1, 128], strides = [1, 1, 1]} : vector<1024x8x128xf32> to vector<1024x1x128xf32>
    %squeeze3A_185 = vector.shape_cast %slice3A_184 : vector<1024x1x128xf32> to vector<1024x128xf32>
    %select_n3A_186 = arith.select %eq3A_183, %squeeze3A_185, %select_n3A_149 : vector<1024x128xi1>, vector<1024x128xf32>
    %jit3A_187 = arith.constant 16 : i32
    %div3A_188 = vector.broadcast %jit3A_187 : i32 to vector<1024x128xi32>
    %div3A_189 = arith.divsi %iota3A_10, %div3A_188 : vector<1024x128xi32>
    %sign3A_190 = arith.constant 0 : i32
    %sign3A_191 = vector.broadcast %sign3A_190 : i32 to vector<1024x128xi32>
    %sign3A_192 = arith.cmpi sgt, %iota3A_10, %sign3A_191 : vector<1024x128xi32>
    %sign3A_193 = arith.extui %sign3A_192 : vector<1024x128xi1> to vector<1024x128xi32>
    %sign3A_194 = arith.constant 0 : i32
    %sign3A_195 = vector.broadcast %sign3A_194 : i32 to vector<1024x128xi32>
    %sign3A_196 = arith.cmpi slt, %iota3A_10, %sign3A_195 : vector<1024x128xi32>
    %sign3A_197 = arith.extui %sign3A_196 : vector<1024x128xi1> to vector<1024x128xi32>
    %sign3A_198 = arith.subi %sign3A_193, %sign3A_197 : vector<1024x128xi32>
    %sign3A_199 = arith.constant 0 : i32
    %sign3A_200 = arith.cmpi sgt, %jit3A_187, %sign3A_199 : i32
    %sign3A_201 = arith.extui %sign3A_200 : i1 to i32
    %sign3A_202 = arith.constant 0 : i32
    %sign3A_203 = arith.cmpi slt, %jit3A_187, %sign3A_202 : i32
    %sign3A_204 = arith.extui %sign3A_203 : i1 to i32
    %sign3A_205 = arith.subi %sign3A_201, %sign3A_204 : i32
    %ne3A_206 = vector.broadcast %sign3A_205 : i32 to vector<1024x128xi32>
    %ne3A_207 = arith.cmpi ne, %sign3A_198, %ne3A_206 : vector<1024x128xi32>
    %rem3A_208 = vector.broadcast %jit3A_187 : i32 to vector<1024x128xi32>
    %rem3A_209 = arith.remsi %iota3A_10, %rem3A_208 : vector<1024x128xi32>
    %ne3A_210 = arith.constant 0 : i32
    %ne3A_211 = vector.broadcast %ne3A_210 : i32 to vector<1024x128xi32>
    %ne3A_212 = arith.cmpi ne, %rem3A_209, %ne3A_211 : vector<1024x128xi32>
    %and3A_213 = arith.andi %ne3A_207, %ne3A_212 : vector<1024x128xi1>
    %sub3A_214 = arith.constant 1 : i32
    %sub3A_215 = vector.broadcast %sub3A_214 : i32 to vector<1024x128xi32>
    %sub3A_216 = arith.subi %div3A_189, %sub3A_215 : vector<1024x128xi32>
    %select_n3A_217 = arith.select %and3A_213, %sub3A_216, %div3A_189 : vector<1024x128xi1>, vector<1024x128xi32>
    %eq3A_218 = arith.constant 5 : i32
    %eq3A_219 = vector.broadcast %eq3A_218 : i32 to vector<1024x128xi32>
    %eq3A_220 = arith.cmpi eq, %select_n3A_217, %eq3A_219 : vector<1024x128xi32>
    %slice3A_221 = vector.extract_strided_slice %reshape3A {offsets = [0, 5, 0], sizes = [1024, 1, 128], strides = [1, 1, 1]} : vector<1024x8x128xf32> to vector<1024x1x128xf32>
    %squeeze3A_222 = vector.shape_cast %slice3A_221 : vector<1024x1x128xf32> to vector<1024x128xf32>
    %select_n3A_223 = arith.select %eq3A_220, %squeeze3A_222, %select_n3A_186 : vector<1024x128xi1>, vector<1024x128xf32>
    %jit3A_224 = arith.constant 16 : i32
    %div3A_225 = vector.broadcast %jit3A_224 : i32 to vector<1024x128xi32>
    %div3A_226 = arith.divsi %iota3A_10, %div3A_225 : vector<1024x128xi32>
    %sign3A_227 = arith.constant 0 : i32
    %sign3A_228 = vector.broadcast %sign3A_227 : i32 to vector<1024x128xi32>
    %sign3A_229 = arith.cmpi sgt, %iota3A_10, %sign3A_228 : vector<1024x128xi32>
    %sign3A_230 = arith.extui %sign3A_229 : vector<1024x128xi1> to vector<1024x128xi32>
    %sign3A_231 = arith.constant 0 : i32
    %sign3A_232 = vector.broadcast %sign3A_231 : i32 to vector<1024x128xi32>
    %sign3A_233 = arith.cmpi slt, %iota3A_10, %sign3A_232 : vector<1024x128xi32>
    %sign3A_234 = arith.extui %sign3A_233 : vector<1024x128xi1> to vector<1024x128xi32>
    %sign3A_235 = arith.subi %sign3A_230, %sign3A_234 : vector<1024x128xi32>
    %sign3A_236 = arith.constant 0 : i32
    %sign3A_237 = arith.cmpi sgt, %jit3A_224, %sign3A_236 : i32
    %sign3A_238 = arith.extui %sign3A_237 : i1 to i32
    %sign3A_239 = arith.constant 0 : i32
    %sign3A_240 = arith.cmpi slt, %jit3A_224, %sign3A_239 : i32
    %sign3A_241 = arith.extui %sign3A_240 : i1 to i32
    %sign3A_242 = arith.subi %sign3A_238, %sign3A_241 : i32
    %ne3A_243 = vector.broadcast %sign3A_242 : i32 to vector<1024x128xi32>
    %ne3A_244 = arith.cmpi ne, %sign3A_235, %ne3A_243 : vector<1024x128xi32>
    %rem3A_245 = vector.broadcast %jit3A_224 : i32 to vector<1024x128xi32>
    %rem3A_246 = arith.remsi %iota3A_10, %rem3A_245 : vector<1024x128xi32>
    %ne3A_247 = arith.constant 0 : i32
    %ne3A_248 = vector.broadcast %ne3A_247 : i32 to vector<1024x128xi32>
    %ne3A_249 = arith.cmpi ne, %rem3A_246, %ne3A_248 : vector<1024x128xi32>
    %and3A_250 = arith.andi %ne3A_244, %ne3A_249 : vector<1024x128xi1>
    %sub3A_251 = arith.constant 1 : i32
    %sub3A_252 = vector.broadcast %sub3A_251 : i32 to vector<1024x128xi32>
    %sub3A_253 = arith.subi %div3A_226, %sub3A_252 : vector<1024x128xi32>
    %select_n3A_254 = arith.select %and3A_250, %sub3A_253, %div3A_226 : vector<1024x128xi1>, vector<1024x128xi32>
    %eq3A_255 = arith.constant 6 : i32
    %eq3A_256 = vector.broadcast %eq3A_255 : i32 to vector<1024x128xi32>
    %eq3A_257 = arith.cmpi eq, %select_n3A_254, %eq3A_256 : vector<1024x128xi32>
    %slice3A_258 = vector.extract_strided_slice %reshape3A {offsets = [0, 6, 0], sizes = [1024, 1, 128], strides = [1, 1, 1]} : vector<1024x8x128xf32> to vector<1024x1x128xf32>
    %squeeze3A_259 = vector.shape_cast %slice3A_258 : vector<1024x1x128xf32> to vector<1024x128xf32>
    %select_n3A_260 = arith.select %eq3A_257, %squeeze3A_259, %select_n3A_223 : vector<1024x128xi1>, vector<1024x128xf32>
    %jit3A_261 = arith.constant 16 : i32
    %div3A_262 = vector.broadcast %jit3A_261 : i32 to vector<1024x128xi32>
    %div3A_263 = arith.divsi %iota3A_10, %div3A_262 : vector<1024x128xi32>
    %sign3A_264 = arith.constant 0 : i32
    %sign3A_265 = vector.broadcast %sign3A_264 : i32 to vector<1024x128xi32>
    %sign3A_266 = arith.cmpi sgt, %iota3A_10, %sign3A_265 : vector<1024x128xi32>
    %sign3A_267 = arith.extui %sign3A_266 : vector<1024x128xi1> to vector<1024x128xi32>
    %sign3A_268 = arith.constant 0 : i32
    %sign3A_269 = vector.broadcast %sign3A_268 : i32 to vector<1024x128xi32>
    %sign3A_270 = arith.cmpi slt, %iota3A_10, %sign3A_269 : vector<1024x128xi32>
    %sign3A_271 = arith.extui %sign3A_270 : vector<1024x128xi1> to vector<1024x128xi32>
    %sign3A_272 = arith.subi %sign3A_267, %sign3A_271 : vector<1024x128xi32>
    %sign3A_273 = arith.constant 0 : i32
    %sign3A_274 = arith.cmpi sgt, %jit3A_261, %sign3A_273 : i32
    %sign3A_275 = arith.extui %sign3A_274 : i1 to i32
    %sign3A_276 = arith.constant 0 : i32
    %sign3A_277 = arith.cmpi slt, %jit3A_261, %sign3A_276 : i32
    %sign3A_278 = arith.extui %sign3A_277 : i1 to i32
    %sign3A_279 = arith.subi %sign3A_275, %sign3A_278 : i32
    %ne3A_280 = vector.broadcast %sign3A_279 : i32 to vector<1024x128xi32>
    %ne3A_281 = arith.cmpi ne, %sign3A_272, %ne3A_280 : vector<1024x128xi32>
    %rem3A_282 = vector.broadcast %jit3A_261 : i32 to vector<1024x128xi32>
    %rem3A_283 = arith.remsi %iota3A_10, %rem3A_282 : vector<1024x128xi32>
    %ne3A_284 = arith.constant 0 : i32
    %ne3A_285 = vector.broadcast %ne3A_284 : i32 to vector<1024x128xi32>
    %ne3A_286 = arith.cmpi ne, %rem3A_283, %ne3A_285 : vector<1024x128xi32>
    %and3A_287 = arith.andi %ne3A_281, %ne3A_286 : vector<1024x128xi1>
    %sub3A_288 = arith.constant 1 : i32
    %sub3A_289 = vector.broadcast %sub3A_288 : i32 to vector<1024x128xi32>
    %sub3A_290 = arith.subi %div3A_263, %sub3A_289 : vector<1024x128xi32>
    %select_n3A_291 = arith.select %and3A_287, %sub3A_290, %div3A_263 : vector<1024x128xi1>, vector<1024x128xi32>
    %eq3A_292 = arith.constant 7 : i32
    %eq3A_293 = vector.broadcast %eq3A_292 : i32 to vector<1024x128xi32>
    %eq3A_294 = arith.cmpi eq, %select_n3A_291, %eq3A_293 : vector<1024x128xi32>
    %slice3A_295 = vector.extract_strided_slice %reshape3A {offsets = [0, 7, 0], sizes = [1024, 1, 128], strides = [1, 1, 1]} : vector<1024x8x128xf32> to vector<1024x1x128xf32>
    %squeeze3A_296 = vector.shape_cast %slice3A_295 : vector<1024x1x128xf32> to vector<1024x128xf32>
    %select_n3A_297 = arith.select %eq3A_294, %squeeze3A_296, %select_n3A_260 : vector<1024x128xi1>, vector<1024x128xf32>
    %swap3A = arith.constant 0 : index
    %swap3A_298 = arith.constant 0 : index
    %swap3A_299 = vector.load %arg2[%swap3A, %swap3A_298] : memref<1024x128xf32, #tpu.memory_space<vmem>>, vector<1024x128xf32>
    tpu.vector_store %arg2[%swap3A, %swap3A_298], %select_n3A_297 {strides = array<i32>} : memref<1024x128xf32, #tpu.memory_space<vmem>>, vector<1024x128xf32>,
    return
  }
  func.func @transform_0(%arg0: i32) -> (i32, i32) {
    %c0_i32 = arith.constant 0 : i32
    %c0_i32_0 = arith.constant 0 : i32
    return %c0_i32, %arg0 : i32, i32
  }
  func.func @transform_1(%arg0: i32) -> (i32, i32) {
    %c0_i32 = arith.constant 0 : i32
    %c0_i32_0 = arith.constant 0 : i32
    return %arg0, %c0_i32 : i32, i32
  }
}

</mosaic_0001>

<sc_bundles>
// kernel: kernel.4.cloned.1.call-start
scs
__scs_entry_jumppad:
0x0: {  	(pc) =	sbr.rel $0x88, $3  }
0x1: {  	(tag) =	ssettag $0x0;
	lr =	simm.s32 $0x1  }
0x2: {  	[smem:$0x3F9D] =	sst lr;
	_ =	strace $0xD0000000  }
0x3: {  	_ = 	snop  }
0x4: {  	_ = 	snop  }
0x5: {  	_ = 	snop  }
0x6: {  	_ = 	snop  }
0x7: {  	_ = 	snop  }
__scs_overlays_trampoline_lowered:
0x8: {  	[smem:$0x3FAC] =	sst s0  }
0x9: {  	[smem:$0x3FAD] =	sst s1  }
0xa: {  	[smem:$0x3FAE] =	sst s2  }
0xb: {  	[smem:$0x3FAF] =	sst s3  }
0xc: {  	[smem:$0x3FB0] =	sst s4  }
0xd: {  	[smem:$0x3FB1] =	sst s5  }
0xe: {  	[smem:$0x3FB2] =	sst s6  }
0xf: {  	[smem:$0x3FB3] =	sst s7  }
0x10: {  	[smem:$0x3FB4] =	sst s8  }
0x11: {  	[smem:$0x3FB5] =	sst s9;
	s0 =	simm.s32 @!p0 $0x0  }
0x12: {  	s1 =	sld [smem:$0x3F9B];
	s0 =	simm.s32 @p0 $0x1  }
0x13: {  	[smem:$0x3FB6] =	sst s0;
	s0 =	simm.s32 @!p1 $0x0  }
0x14: {  	s2 =	sld [smem:$0x3F9A];
	s0 =	simm.s32 @p1 $0x1  }
0x15: {  	[smem:$0x3FB7] =	sst s0;
	s0 =	simm.s32 @!p2 $0x0  }
0x16: {  	s3 =	sld [smem:$0x3FDB];
	s0 =	simm.s32 @p2 $0x1  }
0x17: {  	s4 =	simm.s32 $0x1BF5;
	[smem:$0x3FB9] =	sst s0  }
0x18: {  	s0 =	sld [smem:$0x3F9C];
	_ =	swait.ge [sflag:s4], $0x0  }
0x19: {  	s7 =	sld [smem:$0x3F9D]  }
0x1a: {  	s8 =	sadd.s32 $0xFFFFE003, lr  }
0x1b: {  	s9 =	sadd.s32 $0xFFFFFEF7, lr;
	s5 =	simm.s32 $0xFFFFFFFF;
	p2 =	slt.u32 s8, $0xFFFFF086  }
0x1c: {  	p1 =	slt.u32 s9, $0xF7A;
	s5 =	simm.s32 @!p2 $0x0  }
0x1d: {  	s5 =	simm.s32 @p1 $0x1;
	p0 =	seq.s32 s7, s2  }
0x1e: {  	s7 =	smul.u32 @!p0 $0xF7A, s2;
	p2 =	seq.s32 @!p0 s5, $0x0  }
0x1f: {  	s9 =	smul.u32 $0xF7A, s1;
	s8 =	simm.s32 @!p0 $0x1BF5;
	p2 =	por !p2, p0  }
0x20: {  	[sflag:s8] =	ssyncset.s32 @!p0 $0xFFFFF086;
	s6 =	sadd.s32 @!p0 s3, s7;
	s7 =	simm.s32 @!p0 $0x108  }
0x21: {  	s3 =	sadd.s32 s3, s9;
	s6 =	sadd.s32 @!p0 $0x88, s6;
	s7 =	simm.s32 @p2 $0x1082  }
0x22: {  	[simem:s7], [sflag:s8] =	dma.local @!p0 [hbm:s6], $0xF7A  }
0x23: {  	s9 =	sor.u32 $0xD0000000, s2;
	s6 =	simm.s32 $0x108;
	_ =	swait.ge @!p0 [sflag:s8], $0x0  }
0x24: {  	s3 =	sadd.s32 $0x88, s3;
	s6 =	simm.s32 @!p1 $0x1082;
	[sflag:s4] =	ssyncset.s32 $0xFFFFF086  }
0x25: {  	[simem:s6], [sflag:s4] =	dma.local [hbm:s3], $0xF7A  }
0x26: {  	[smem:$0x3F9D] =	sst s1;
	(tag) =	ssettag s2;
	_ =	strace s9  }
0x27: {  	s1 =	sld [smem:$0x3FAD]  }
0x28: {  	s2 =	sld [smem:$0x3FAE]  }
0x29: {  	s4 =	sld [smem:$0x3FB0]  }
0x2a: {  	p0 =	seq.s32 s5, $0x0;
	s5 =	sld [smem:$0x3FB1]  }
0x2b: {  	s6 =	sld [smem:$0x3FB2]  }
0x2c: {  	s7 =	sld [smem:$0x3FB3]  }
0x2d: {  	s3 =	simm.s32 $0x108;
	s8 =	sld [smem:$0x3FB4]  }
0x2e: {  	s3 =	simm.s32 @!p0 $0x1082;
	s9 =	sld [smem:$0x3FB5]  }
0x2f: {  	lr =	sadd.s32 s0, s3;
	s0 =	sld [smem:$0x3FAC]  }
0x30: {  	s3 =	sld [smem:$0x3FAF]  }
0x31: {  	[smem:$0x3FB8] =	sst s10  }
0x32: {  	s10 =	sld [smem:$0x3FB6];
	_ =	sdelay $0x3  }
0x33: {  	p0 =	seq.s32 s10, $0x1;
	s10 =	sld [smem:$0x3FB8];
	_ =	sdelay $0x3  }
0x34: {  	[smem:$0x3FB8] =	sst s10  }
0x35: {  	s10 =	sld [smem:$0x3FB7];
	_ =	sdelay $0x3  }
0x36: {  	p1 =	seq.s32 s10, $0x1;
	s10 =	sld [smem:$0x3FB8];
	_ =	sdelay $0x3  }
0x37: {  	[smem:$0x3FB8] =	sst s10  }
0x38: {  	s10 =	sld [smem:$0x3FB9]  }
0x39: {  	_ = 	snop;
	(pc) =	sbr.ind lr, $3  }
0x3a: {  	_ = 	snop  }
0x3b: {  	_ = 	snop  }
0x3c: {  	p2 =	seq.s32 s10, $0x1;
	s10 =	sld [smem:$0x3FB8]  }
0x3d: {  	_ =	shalt  }
0x3e: {  	_ =	shalt  }
0x3f: {  	_ =	shalt  }
0x40: {  	_ =	shalt  }
0x41: {  	_ =	shalt  }
0x42: {  	_ =	shalt  }
0x43: {  	_ =	shalt  }
0x44: {  	_ =	shalt  }
0x45: {  	_ =	shalt  }
0x46: {  	_ =	shalt  }
0x47: {  	_ =	shalt  }
0x48: {  	_ =	shalt  }
0x49: {  	_ =	shalt  }
0x4a: {  	_ =	shalt  }
0x4b: {  	_ =	shalt  }
0x4c: {  	_ =	shalt  }
0x4d: {  	_ =	shalt  }
0x4e: {  	_ =	shalt  }
0x4f: {  	_ =	shalt  }
0x50: {  	_ =	shalt  }
0x51: {  	_ =	shalt  }
0x52: {  	_ =	shalt  }
0x53: {  	_ =	shalt  }
0x54: {  	_ =	shalt  }
0x55: {  	_ =	shalt  }
0x56: {  	_ =	shalt  }
0x57: {  	_ =	shalt  }
0x58: {  	_ =	shalt  }
0x59: {  	_ =	shalt  }
0x5a: {  	_ =	shalt  }
0x5b: {  	_ =	shalt  }
0x5c: {  	_ =	shalt  }
0x5d: {  	_ =	shalt  }
0x5e: {  	_ =	shalt  }
0x5f: {  	_ =	shalt  }
0x60: {  	_ =	shalt  }
0x61: {  	_ =	shalt  }
0x62: {  	_ =	shalt  }
0x63: {  	_ =	shalt  }
0x64: {  	_ =	shalt  }
0x65: {  	_ =	shalt  }
0x66: {  	_ =	shalt  }
0x67: {  	_ =	shalt  }
0x68: {  	_ =	shalt  }
0x69: {  	_ =	shalt  }
0x6a: {  	_ =	shalt  }
0x6b: {  	_ =	shalt  }
0x6c: {  	_ =	shalt  }
0x6d: {  	_ =	shalt  }
0x6e: {  	_ =	shalt  }
0x6f: {  	_ =	shalt  }
0x70: {  	_ =	shalt  }
0x71: {  	_ =	shalt  }
0x72: {  	_ =	shalt  }
0x73: {  	_ =	shalt  }
0x74: {  	_ =	shalt  }
0x75: {  	_ =	shalt  }
0x76: {  	_ =	shalt  }
0x77: {  	_ =	shalt  }
0x78: {  	_ =	shalt  }
0x79: {  	_ =	shalt  }
0x7a: {  	_ =	shalt  }
0x7b: {  	_ =	shalt  }
0x7c: {  	_ =	shalt  }
0x7d: {  	_ =	shalt  }
0x7e: {  	_ =	shalt  }
0x7f: {  	_ =	shalt  }
0x80: {  	_ =	shalt  }
0x81: {  	_ =	shalt  }
0x82: {  	_ =	shalt  }
0x83: {  	_ =	shalt  }
0x84: {  	_ =	shalt  }
0x85: {  	_ =	shalt  }
0x86: {  	_ =	shalt  }
0x87: {  	_ =	shalt  }
.Lfunc_end0:
.L_simem_size_0:
called_computation_lowered:
.L_overlay_start_0:
0x88: {  	s2 =	sld [smem:$0x3FD9]  }
0x89: {  	s3 =	sld [smem:$0x3FFE];
	_ =	sdelay $0x1  }
0x8a: {  	s1 =	srdreg.scid  }
0x8b: {  	s0 =	sand.u32 $0x1, s1  }
0x8c: {  	s17 =	sshll.u32 s0, $0xA;
	s2 =	sadd.s32 s3, s2  }
0x8d: {  	s2 =	sadd.s32 s2, s17  }
0x8e: {  	[smem:$0x3FC4] =	sst s2  }
0x8f: {  	_ = 	snop  }
0x90: {  	s2 =	sld [smem:$0x3FC8]  }
0x91: {  	s18 =	sld [smem:$0x3FD0];
	(tm) =	ssettm $0x1  }
0x92: {  	s4 =	sld [smem:$0x3FFB];
	_ =	sdelay $0x3  }
0x93: {  	_ =	strace s4  }
0x94: {  	s4 =	sld [smem:$0x3FFC];
	_ =	sdelay $0x3  }
0x95: {  	_ =	strace s4  }
0x96: {  	s4 =	sld [smem:$0x3FFD];
	_ =	sdelay $0x3  }
0x97: {  	_ =	strace s4  }
0x98: {  	_ =	strace $0x8FFFFFFF  }
0x99: {  	s19 =	sld [smem:$0x3FDB];
	_ =	sdelay $0x1  }
0x9a: {  	s5 =	simm.s32 $_scs_section_size  }
0x9b: {  	s6 =	simm.s32 $_size__tile_overlayer_lowered;
	s7 =	simm.s32 $_tile_overlayer_lowered  }
0x9c: {  	s22 =	simm.s32 $0x1BFF;
	s21 =	sshll.u32 s7, $0x1;
	s4 =	sadd.s32 s5, s19  }
0x9d: {  	s8 =	simm.s32 $0x0;
	s20 =	sshll.u32 s6, $0x1;
	s6 =	sadd.s32 s21, s4  }
0x9e: {  	[timem:s8], [sflag:s22] =	dma.local [hbm:s6], s20  }
0x9f: {  	_ =	swait.ge [sflag:s22], s20  }
0xa0: {  	s5 =	ssub.s32 $0x0, s20;
	[sflag:s22] =	ssyncset.done $0x0  }
0xa1: {  	[sflag:s22] =	ssyncadd.s32 s5;
	_ =	sdelay $0x1  }
0xa2: {  	s23 =	simm.s32 $0x1B8B  }
0xa3: {  	_ =	swait.ge [sflag:s23], $0x1  }
0xa4: {  	[sflag:s23] =	ssyncset.done $0x0  }
0xa5: {  	s25 =	simm.s32 $0x1B8E;
	s24 =	sld [smem:$0x3FFE];
	[sflag:s23] =	ssyncadd.s32 $0xFFFFFFFF  }
0xa6: {  	s26 =	simm.s32 $execute0_lowered;
	[smem:$0x3FD2] =	sst s25  }
0xa7: {  	s6 =	sshll.u32 s26, $0x1;
	_ =	strace $0x80000046;
	[dreg:$0x1] =	wrdreg $0xFFFFFFFF  }
0xa8: {  	s28 =	simm.s32 $_size_execute0_lowered;
	s4 =	sadd.s32 s4, s6;
	[dreg:$0x0] =	wrdreg $0x0  }
0xa9: {  	s6 =	sshll.u32 s28, $0x1;
	[dreg:$0x2] =	wrdreg s4  }
0xaa: {  	[dreg:$0x3] =	wrdreg s6  }
0xab: {  	[dreg:$0x4] =	wrdreg $0xC0  }
0xac: {  	_ =	task [dreg:s8], $0x5FFFF  }
0xad: {  	[dreg:$0x1] =	wrdreg $0xFFFFFFFF  }
0xae: {  	[dreg:$0x0] =	wrdreg $0x60  }
0xaf: {  	[dreg:$0x2] =	wrdreg s24  }
0xb0: {  	[dreg:$0x3] =	wrdreg s2  }
0xb1: {  	[dreg:$0x4] =	wrdreg s18  }
0xb2: {  	[dreg:$0x5] =	wrdreg $0x9  }
0xb3: {  	_ =	task.clear_ibuf [dreg:s8], $0x6FFFF;
	_ =	strace $0x90000046  }
0xb4: {  	s29 =	simm.s32 $0x9;
	_ =	strace $0x80000048  }
0xb5: {  	_ =	swait.ge [sflag:s29], $0x1  }
0xb6: {  	[sflag:s29] =	ssyncadd.s32 $0xFFFFFFFF  }
0xb7: {  	_ =	strace $0x90000048  }
0xb8: {  	_ =	sfence  }
0xb9: {  	s30 =	sld [smem:$0x0];
	_ =	sdelay $0x2  }
0xba: {  	s31 =	sshll.u32 s1, $0xD;
	s1 =	sshrl.u32 s1, $0x2  }
0xbb: {  	s3 =	sand.u32 $0x4000, s31;
	s1 =	sadd.s32 s1, s30  }
0xbc: {  	s0 =	sor.u32 s3, s0;
	s1 =	sshll.u32 s1, $0x11  }
0xbd: {  	s0 =	sor.u32 s1, s0  }
0xbe: {  	s0 =	sadd.s32 $0x8F2B, s0  }
0xbf: {  	[sflag:s0] =	ssyncadd.remote.s32 $0x1  }
0xc0: {  	_ =	sfence.sel $0xFFFF  }
0xc1: {  	[dreg:$0x0] =	wrdreg $0xFFFFFFFF;
	(pc) =	sbr.abs _section_cstart, $3  }
0xc2: {  	[dreg:$0x1] =	wrdreg $0xFFFFFFFF  }
0xc3: {  	_ =	task.clear_ibuf [dreg:s8], $0x2FFFF;
	_ =	strace $0x9FFFFFFF  }
0xc4: {  	(tm) =	ssettm $0x7FFFFFFF  }
0xc5: {  	_ =	shalt  }
tec
execute0_lowered:
.L_overlay_start_1:
0x0: {  	(tag) =	ssettag $0x1  }
0x1: {  	s0 =	rddreg [dreg:$0x0]  }
0x2: {  	s2 =	rddreg [dreg:$0x1];
	s1 =	srdreg.scid  }
0x3: {  	s3 =	stileid.u32;
	s5 =	rddreg [dreg:$0x2];
	s8 =	simm.s32 $0x5  }
0x4: {  	s9 =	simm.s32 $0x80;
	s11 =	simm.s32 $0xDD00;
	s22 =	simm.s32 $0x580  }
0x5: {  	s28 =	simm.s32 $0x600;
	s15 =	simm.s32 $0x700;
	s21 =	simm.s32 $0x780  }
0x6: {  	s29 =	simm.s32 $0x800;
	s12 =	simm.s32 $0x880;
	s10 =	simm.s32 $0x980  }
0x7: {  	s19 =	simm.s32 $0xA80;
	s31 =	simm.s32 $0xB00;
	s16 =	simm.s32 $0xB80  }
0x8: {  	s14 =	simm.s32 $0xC00;
	s17 =	simm.s32 $0xC80;
	s20 =	simm.s32 $0x1  }
0x9: {  	s23 =	simm.s32 $0x3;
	s1 =	sand.u32 $0x1, s1;
	s4 =	sshll.u32 s3, $0x1  }
0xa: {  	s30 =	simm.s32 $0x0;
	s3 =	simm.s32 $0x0;
	s6 =	sor.u32 s1, s4  }
0xb: {  	[smem:$0x7FF] =	sst s3;
	s1 =	ssub.s32 $0x2, s1;
	s4 =	smul.u32 $0x1A0, s6  }
0xc: {  	_ =	strace $0x80000047;
	s24 =	sshrl.u32 s1, $0x1;
	s26 =	sshll.u32 s6, $0x4  }
0xd: {  	s6 =	simm.s32 $0xEA00;
	s7 =	sadd.s32 s4, s0;
	s4 =	sadd.s32 $0x3800, s0  }
0xe: {  	s0 =	ssub.s32 s1, s24;
	s1 =	sadd.s32 s5, s26;
	s24 =	simm.s32 $0x900  }
0xf: {  	s26 =	simm.s32 $0x2;
	s25 =	sadd.s32 $0x400, s7;
	[dreg:$0x5] =	wrdreg s1  }
0x10: {  	s5 =	simm.s32 $0x4;
	s0 =	smax.u32 s0, $0x1;
	[dreg:$0x4] =	wrdreg s25  }
0x11: {  	v0 =	vlaneseq.u32;
	s1 =	simm.s32 $0x680;
	[dreg:$0x6] =	wrdreg s0;
	s25 =	simm.s32 $0xA00  }
.LBB2_1:
0x12: {  	s0 =	rddreg [dreg:$0x4]  }
0x13: {  	[tilespmem:s3], [sflag:$0x5] =	stream.linear.gather [hbm4b:s0+s3], $0xD00, $0x38;
	[tilespmem:$0xF280] =	vst v63  }
0x14: {  	_ =	swait.ge [sflag:s8], $0xD00  }
0x15: {  	[sflag:s8] =	ssyncset.done $0x0  }
0x16: {  	s13 =	simm.s32 $0xD00;
	[sflag:s8] =	ssyncadd.s32 $0xFFFFF300  }
0x17: {  	[tilespmem:s13], [sflag:$0x1] =	stream.indirect.gather [hbm4b:s4+s9], $0x10, s3, s9, $0xb8;
	[tilespmem:$0xF280] =	vst v63  }
0x18: {  	_ = 	snop  }
0x19: {  	[tilespmem:s11], [sflag:$0x3] =	stream.indirect.gather [hbm4b:s2+s9], $0x1, s3, s9, $0xb8;
	[tilespmem:$0xF280] =	vst v63  }
0x1a: {  	s18 =	simm.s32 $0x1500  }
0x1b: {  	[tilespmem:s18], [sflag:$0x1] =	stream.indirect.gather [hbm4b:s4+s9], $0x10, s9, s9, $0xb8;
	[tilespmem:$0xF280] =	vst v63  }
0x1c: {  	s7 =	simm.s32 $0xDD80  }
0x1d: {  	[tilespmem:s7], [sflag:$0x3] =	stream.indirect.gather [hbm4b:s2+s9], $0x1, s9, s9, $0xb8;
	[tilespmem:$0xF280] =	vst v63  }
0x1e: {  	s13 =	simm.s32 $0x100;
	s7 =	simm.s32 $0x1D00  }
0x1f: {  	[tilespmem:s7], [sflag:$0x1] =	stream.indirect.gather [hbm4b:s4+s9], $0x10, s13, s9, $0xb8;
	[tilespmem:$0xF280] =	vst v63  }
0x20: {  	s18 =	simm.s32 $0xDE00  }
0x21: {  	[tilespmem:s18], [sflag:$0x3] =	stream.indirect.gather [hbm4b:s2+s9], $0x1, s13, s9, $0xb8;
	[tilespmem:$0xF280] =	vst v63  }
0x22: {  	s0 =	simm.s32 $0x180;
	s13 =	simm.s32 $0x2500  }
0x23: {  	[tilespmem:s13], [sflag:$0x1] =	stream.indirect.gather [hbm4b:s4+s9], $0x10, s0, s9, $0xb8;
	[tilespmem:$0xF280] =	vst v63  }
0x24: {  	s18 =	simm.s32 $0xDE80  }
0x25: {  	[tilespmem:s18], [sflag:$0x3] =	stream.indirect.gather [hbm4b:s2+s9], $0x1, s0, s9, $0xb8;
	[tilespmem:$0xF280] =	vst v63  }
0x26: {  	s13 =	simm.s32 $0x2D00;
	s0 =	simm.s32 $0x200  }
0x27: {  	[tilespmem:s13], [sflag:$0x1] =	stream.indirect.gather [hbm4b:s4+s9], $0x10, s0, s9, $0xb8;
	[tilespmem:$0xF280] =	vst v63  }
0x28: {  	s18 =	simm.s32 $0xDF00  }
0x29: {  	[tilespmem:s18], [sflag:$0x3] =	stream.indirect.gather [hbm4b:s2+s9], $0x1, s0, s9, $0xb8;
	[tilespmem:$0xF280] =	vst v63  }
0x2a: {  	s13 =	simm.s32 $0x3500;
	s0 =	simm.s32 $0x280  }
0x2b: {  	[tilespmem:s13], [sflag:$0x1] =	stream.indirect.gather [hbm4b:s4+s9], $0x10, s0, s9, $0xb8;
	[tilespmem:$0xF280] =	vst v63  }
0x2c: {  	s18 =	simm.s32 $0xDF80  }
0x2d: {  	[tilespmem:s18], [sflag:$0x3] =	stream.indirect.gather [hbm4b:s2+s9], $0x1, s0, s9, $0xb8;
	[tilespmem:$0xF280] =	vst v63  }
0x2e: {  	s13 =	simm.s32 $0x3D00;
	s0 =	simm.s32 $0x300  }
0x2f: {  	[tilespmem:s13], [sflag:$0x1] =	stream.indirect.gather [hbm4b:s4+s9], $0x10, s0, s9, $0xb8;
	[tilespmem:$0xF280] =	vst v63  }
0x30: {  	s18 =	simm.s32 $0xE000  }
0x31: {  	[tilespmem:s18], [sflag:$0x3] =	stream.indirect.gather [hbm4b:s2+s9], $0x1, s0, s9, $0xb8;
	[tilespmem:$0xF280] =	vst v63  }
0x32: {  	s13 =	simm.s32 $0x4500;
	s0 =	simm.s32 $0x380  }
0x33: {  	[tilespmem:s13], [sflag:$0x1] =	stream.indirect.gather [hbm4b:s4+s9], $0x10, s0, s9, $0xb8;
	[tilespmem:$0xF280] =	vst v63  }
0x34: {  	s18 =	simm.s32 $0xE080  }
0x35: {  	[tilespmem:s18], [sflag:$0x3] =	stream.indirect.gather [hbm4b:s2+s9], $0x1, s0, s9, $0xb8;
	[tilespmem:$0xF280] =	vst v63  }
0x36: {  	s13 =	simm.s32 $0x4D00;
	s0 =	simm.s32 $0x400  }
0x37: {  	[tilespmem:s13], [sflag:$0x1] =	stream.indirect.gather [hbm4b:s4+s9], $0x10, s0, s9, $0xb8;
	[tilespmem:$0xF280] =	vst v63  }
0x38: {  	s18 =	simm.s32 $0xE100  }
0x39: {  	[tilespmem:s18], [sflag:$0x3] =	stream.indirect.gather [hbm4b:s2+s9], $0x1, s0, s9, $0xb8;
	[tilespmem:$0xF280] =	vst v63  }
0x3a: {  	s13 =	simm.s32 $0x5500;
	s0 =	simm.s32 $0x480  }
0x3b: {  	[tilespmem:s13], [sflag:$0x1] =	stream.indirect.gather [hbm4b:s4+s9], $0x10, s0, s9, $0xb8;
	[tilespmem:$0xF280] =	vst v63  }
0x3c: {  	s18 =	simm.s32 $0xE180  }
0x3d: {  	[tilespmem:s18], [sflag:$0x3] =	stream.indirect.gather [hbm4b:s2+s9], $0x1, s0, s9, $0xb8;
	[tilespmem:$0xF280] =	vst v63  }
0x3e: {  	s13 =	simm.s32 $0x5D00;
	s0 =	simm.s32 $0x500  }
0x3f: {  	[tilespmem:s13], [sflag:$0x1] =	stream.indirect.gather [hbm4b:s4+s9], $0x10, s0, s9, $0xb8;
	[tilespmem:$0xF280] =	vst v63  }
0x40: {  	s18 =	simm.s32 $0xE200  }
0x41: {  	[tilespmem:s18], [sflag:$0x3] =	stream.indirect.gather [hbm4b:s2+s9], $0x1, s0, s9, $0xb8;
	[tilespmem:$0xF280] =	vst v63  }
0x42: {  	s7 =	simm.s32 $0x6500  }
0x43: {  	[tilespmem:s7], [sflag:$0x1] =	stream.indirect.gather [hbm4b:s4+s9], $0x10, s22, s9, $0xb8;
	[tilespmem:$0xF280] =	vst v63  }
0x44: {  	s13 =	simm.s32 $0xE280  }
0x45: {  	[tilespmem:s13], [sflag:$0x3] =	stream.indirect.gather [hbm4b:s2+s9], $0x1, s22, s9, $0xb8;
	[tilespmem:$0xF280] =	vst v63  }
0x46: {  	s18 =	simm.s32 $0x6D00  }
0x47: {  	[tilespmem:s18], [sflag:$0x1] =	stream.indirect.gather [hbm4b:s4+s9], $0x10, s28, s9, $0xb8;
	[tilespmem:$0xF280] =	vst v63  }
0x48: {  	s7 =	simm.s32 $0xE300  }
0x49: {  	[tilespmem:s7], [sflag:$0x3] =	stream.indirect.gather [hbm4b:s2+s9], $0x1, s28, s9, $0xb8;
	[tilespmem:$0xF280] =	vst v63  }
0x4a: {  	s13 =	simm.s32 $0x7500  }
0x4b: {  	[tilespmem:s13], [sflag:$0x2] =	stream.indirect.gather [hbm4b:s4+s9], $0x10, s1, s9, $0xb8;
	[tilespmem:$0xF280] =	vst v63  }
0x4c: {  	s18 =	simm.s32 $0xE380  }
0x4d: {  	[tilespmem:s18], [sflag:$0x4] =	stream.indirect.gather [hbm4b:s2+s9], $0x1, s1, s9, $0xb8;
	[tilespmem:$0xF280] =	vst v63  }
0x4e: {  	s7 =	simm.s32 $0x7D00  }
0x4f: {  	[tilespmem:s7], [sflag:$0x2] =	stream.indirect.gather [hbm4b:s4+s9], $0x10, s15, s9, $0xb8;
	[tilespmem:$0xF280] =	vst v63  }
0x50: {  	s13 =	simm.s32 $0xE400  }
0x51: {  	[tilespmem:s13], [sflag:$0x4] =	stream.indirect.gather [hbm4b:s2+s9], $0x1, s15, s9, $0xb8;
	[tilespmem:$0xF280] =	vst v63  }
0x52: {  	s18 =	simm.s32 $0x8500  }
0x53: {  	[tilespmem:s18], [sflag:$0x2] =	stream.indirect.gather [hbm4b:s4+s9], $0x10, s21, s9, $0xb8;
	[tilespmem:$0xF280] =	vst v63  }
0x54: {  	s7 =	simm.s32 $0xE480  }
0x55: {  	[tilespmem:s7], [sflag:$0x4] =	stream.indirect.gather [hbm4b:s2+s9], $0x1, s21, s9, $0xb8;
	[tilespmem:$0xF280] =	vst v63  }
0x56: {  	s13 =	simm.s32 $0x8D00  }
0x57: {  	[tilespmem:s13], [sflag:$0x2] =	stream.indirect.gather [hbm4b:s4+s9], $0x10, s29, s9, $0xb8;
	[tilespmem:$0xF280] =	vst v63  }
0x58: {  	s18 =	simm.s32 $0xE500  }
0x59: {  	[tilespmem:s18], [sflag:$0x4] =	stream.indirect.gather [hbm4b:s2+s9], $0x1, s29, s9, $0xb8;
	[tilespmem:$0xF280] =	vst v63  }
0x5a: {  	s7 =	simm.s32 $0x9500  }
0x5b: {  	[tilespmem:s7], [sflag:$0x2] =	stream.indirect.gather [hbm4b:s4+s9], $0x10, s12, s9, $0xb8;
	[tilespmem:$0xF280] =	vst v63  }
0x5c: {  	s13 =	simm.s32 $0xE580  }
0x5d: {  	[tilespmem:s13], [sflag:$0x4] =	stream.indirect.gather [hbm4b:s2+s9], $0x1, s12, s9, $0xb8;
	[tilespmem:$0xF280] =	vst v63  }
0x5e: {  	s18 =	simm.s32 $0x9D00  }
0x5f: {  	[tilespmem:s18], [sflag:$0x2] =	stream.indirect.gather [hbm4b:s4+s9], $0x10, s24, s9, $0xb8;
	[tilespmem:$0xF280] =	vst v63  }
0x60: {  	s7 =	simm.s32 $0xE600  }
0x61: {  	[tilespmem:s7], [sflag:$0x4] =	stream.indirect.gather [hbm4b:s2+s9], $0x1, s24, s9, $0xb8;
	[tilespmem:$0xF280] =	vst v63  }
0x62: {  	s13 =	simm.s32 $0xA500  }
0x63: {  	[tilespmem:s13], [sflag:$0x2] =	stream.indirect.gather [hbm4b:s4+s9], $0x10, s10, s9, $0xb8;
	[tilespmem:$0xF280] =	vst v63  }
0x64: {  	s18 =	simm.s32 $0xE680  }
0x65: {  	[tilespmem:s18], [sflag:$0x4] =	stream.indirect.gather [hbm4b:s2+s9], $0x1, s10, s9, $0xb8;
	[tilespmem:$0xF280] =	vst v63  }
0x66: {  	s7 =	simm.s32 $0xAD00  }
0x67: {  	[tilespmem:s7], [sflag:$0x2] =	stream.indirect.gather [hbm4b:s4+s9], $0x10, s25, s9, $0xb8;
	[tilespmem:$0xF280] =	vst v63  }
0x68: {  	s13 =	simm.s32 $0xE700  }
0x69: {  	[tilespmem:s13], [sflag:$0x4] =	stream.indirect.gather [hbm4b:s2+s9], $0x1, s25, s9, $0xb8;
	[tilespmem:$0xF280] =	vst v63  }
0x6a: {  	s18 =	simm.s32 $0xB500  }
0x6b: {  	[tilespmem:s18], [sflag:$0x2] =	stream.indirect.gather [hbm4b:s4+s9], $0x10, s19, s9, $0xb8;
	[tilespmem:$0xF280] =	vst v63  }
0x6c: {  	s7 =	simm.s32 $0xE780  }
0x6d: {  	[tilespmem:s7], [sflag:$0x4] =	stream.indirect.gather [hbm4b:s2+s9], $0x1, s19, s9, $0xb8;
	[tilespmem:$0xF280] =	vst v63  }
0x6e: {  	s13 =	simm.s32 $0xBD00  }
0x6f: {  	[tilespmem:s13], [sflag:$0x2] =	stream.indirect.gather [hbm4b:s4+s9], $0x10, s31, s9, $0xb8;
	[tilespmem:$0xF280] =	vst v63  }
0x70: {  	s18 =	simm.s32 $0xE800  }
0x71: {  	[tilespmem:s18], [sflag:$0x4] =	stream.indirect.gather [hbm4b:s2+s9], $0x1, s31, s9, $0xb8;
	[tilespmem:$0xF280] =	vst v63  }
0x72: {  	s7 =	simm.s32 $0xC500  }
0x73: {  	[tilespmem:s7], [sflag:$0x2] =	stream.indirect.gather [hbm4b:s4+s9], $0x10, s16, s9, $0xb8;
	[tilespmem:$0xF280] =	vst v63  }
0x74: {  	s13 =	simm.s32 $0xE880  }
0x75: {  	[tilespmem:s13], [sflag:$0x4] =	stream.indirect.gather [hbm4b:s2+s9], $0x1, s16, s9, $0xb8;
	[tilespmem:$0xF280] =	vst v63  }
0x76: {  	s18 =	simm.s32 $0xCD00  }
0x77: {  	[tilespmem:s18], [sflag:$0x2] =	stream.indirect.gather [hbm4b:s4+s9], $0x10, s14, s9, $0xb8;
	[tilespmem:$0xF280] =	vst v63  }
0x78: {  	s7 =	simm.s32 $0xE900  }
0x79: {  	[tilespmem:s7], [sflag:$0x4] =	stream.indirect.gather [hbm4b:s2+s9], $0x1, s14, s9, $0xb8;
	[tilespmem:$0xF280] =	vst v63  }
0x7a: {  	s13 =	simm.s32 $0xD500  }
0x7b: {  	[tilespmem:s13], [sflag:$0x2] =	stream.indirect.gather [hbm4b:s4+s9], $0x10, s17, s9, $0xb8;
	[tilespmem:$0xF280] =	vst v63  }
0x7c: {  	s18 =	simm.s32 $0xE980  }
0x7d: {  	[tilespmem:s18], [sflag:$0x4] =	stream.indirect.gather [hbm4b:s2+s9], $0x1, s17, s9, $0xb8;
	[tilespmem:$0xF280] =	vst v63  }
0x7e: {  	_ =	swait.ge [sflag:s20], $0x6800  }
0x7f: {  	[sflag:s20] =	ssyncset.done $0x0  }
0x80: {  	[sflag:s20] =	ssyncadd.s32 $0xFFFF9800  }
0x81: {  	_ =	swait.ge [sflag:s23], $0x680  }
0x82: {  	[sflag:s23] =	ssyncset.done $0x0  }
0x83: {  	s0 =	simm.s32 $0xDD0;
	[sflag:s23] =	ssyncadd.s32 $0xFFFFF980  }
0x84: {  	v1 =	vld [tilespmem:s0+$0xFFFFFF30]  }
0x85: {  	s7 =	simm.s32 $0x0;
	s13 =	simm.s32 $0x40;
	v2 =	vld [tilespmem:s0+$0xFFFFFF40]  }
.LBB2_2:
0x86: {  	p0 =	sne.s32 s13, $0xFC0  }
0x87: {  	v3 =	vld [tilespmem:s0+$0xFFFFFF50];
	_ =	sdelay $0x1  }
0x88: {  	v4 =	vld [tilespmem:s0+$0xFFFFFF60]  }
0x89: {  	v5 =	vmul.f32 v1, v1;
	v1 =	vadd.f32 v2, v1;
	v2 =	vmul.f32 v2, v2  }
0x8a: {  	v6 =	vld [tilespmem:s0+$0xFFFFFF70]  }
0x8b: {  	v2 =	vadd.f32 v2, v5;
	v1 =	vadd.f32 v3, v1;
	v3 =	vmul.f32 v3, v3  }
0x8c: {  	v5 =	vld [tilespmem:s0+$0xFFFFFF80]  }
0x8d: {  	v2 =	vadd.f32 v3, v2;
	v1 =	vadd.f32 v4, v1;
	v3 =	vmul.f32 v4, v4  }
0x8e: {  	v4 =	vld [tilespmem:s0+$0xFFFFFF90]  }
0x8f: {  	v2 =	vadd.f32 v3, v2;
	v1 =	vadd.f32 v6, v1;
	v3 =	vmul.f32 v6, v6  }
0x90: {  	v6 =	vld [tilespmem:s0+$0xFFFFFFA0]  }
0x91: {  	v2 =	vadd.f32 v3, v2;
	v1 =	vadd.f32 v5, v1;
	v3 =	vmul.f32 v5, v5  }
0x92: {  	v5 =	vld [tilespmem:s0+$0xFFFFFFB0]  }
0x93: {  	v2 =	vadd.f32 v3, v2;
	v1 =	vadd.f32 v4, v1;
	v3 =	vmul.f32 v4, v4  }
0x94: {  	v4 =	vld [tilespmem:s0+$0xFFFFFFC0]  }
0x95: {  	v2 =	vadd.f32 v3, v2;
	v1 =	vadd.f32 v6, v1;
	v3 =	vmul.f32 v6, v6  }
0x96: {  	v6 =	vld [tilespmem:s0+$0xFFFFFFD0]  }
0x97: {  	v2 =	vadd.f32 v3, v2;
	v1 =	vadd.f32 v5, v1;
	v3 =	vmul.f32 v5, v5  }
0x98: {  	v5 =	vld [tilespmem:s0+$0xFFFFFFE0]  }
0x99: {  	v2 =	vadd.f32 v3, v2;
	v1 =	vadd.f32 v4, v1;
	v3 =	vmul.f32 v4, v4  }
0x9a: {  	v4 =	vld [tilespmem:s0+$0xFFFFFFF0]  }
0x9b: {  	v2 =	vadd.f32 v3, v2;
	v1 =	vadd.f32 v6, v1;
	v3 =	vmul.f32 v6, v6  }
0x9c: {  	v6 =	vld [tilespmem:s0+$0x0]  }
0x9d: {  	v2 =	vadd.f32 v3, v2;
	v1 =	vadd.f32 v5, v1;
	v3 =	vmul.f32 v5, v5  }
0x9e: {  	v5 =	vld [tilespmem:s0+$0x10]  }
0x9f: {  	v2 =	vadd.f32 v3, v2;
	v1 =	vadd.f32 v4, v1;
	v3 =	vmul.f32 v4, v4  }
0xa0: {  	v4 =	vld [tilespmem:s0+$0x20]  }
0xa1: {  	v2 =	vadd.f32 v3, v2;
	v1 =	vadd.f32 v6, v1;
	v3 =	vmul.f32 v6, v6  }
0xa2: {  	v6 =	vld [tilespmem:s0+$0x30]  }
0xa3: {  	v2 =	vadd.f32 v3, v2;
	v1 =	vadd.f32 v5, v1;
	v3 =	vmul.f32 v5, v5  }
0xa4: {  	v5 =	vld [tilespmem:s0+$0x40]  }
0xa5: {  	v2 =	vadd.f32 v3, v2;
	v1 =	vadd.f32 v4, v1;
	v3 =	vmul.f32 v4, v4  }
0xa6: {  	v4 =	vld [tilespmem:s0+$0x50]  }
0xa7: {  	v2 =	vadd.f32 v3, v2;
	v1 =	vadd.f32 v6, v1;
	v3 =	vmul.f32 v6, v6  }
0xa8: {  	v6 =	vld [tilespmem:s0+$0x60]  }
0xa9: {  	v2 =	vadd.f32 v3, v2;
	v1 =	vadd.f32 v5, v1;
	v3 =	vmul.f32 v5, v5  }
0xaa: {  	v5 =	vld [tilespmem:s0+$0x70]  }
0xab: {  	v2 =	vadd.f32 v3, v2;
	v1 =	vadd.f32 v4, v1;
	v3 =	vmul.f32 v4, v4  }
0xac: {  	v4 =	vld [tilespmem:s0+$0x80]  }
0xad: {  	v2 =	vadd.f32 v3, v2;
	v1 =	vadd.f32 v6, v1;
	v3 =	vmul.f32 v6, v6  }
0xae: {  	v6 =	vld [tilespmem:s0+$0x90]  }
0xaf: {  	v2 =	vadd.f32 v3, v2;
	v1 =	vadd.f32 v5, v1;
	v3 =	vmul.f32 v5, v5  }
0xb0: {  	v5 =	vld [tilespmem:s0+$0xA0]  }
0xb1: {  	v2 =	vadd.f32 v3, v2;
	v1 =	vadd.f32 v4, v1;
	v3 =	vmul.f32 v4, v4  }
0xb2: {  	v4 =	vld [tilespmem:s0+$0xB0]  }
0xb3: {  	v2 =	vadd.f32 v3, v2;
	v1 =	vadd.f32 v6, v1;
	v3 =	vmul.f32 v6, v6  }
0xb4: {  	v6 =	vld [tilespmem:s0+$0xC0]  }
0xb5: {  	v2 =	vadd.f32 v3, v2;
	v1 =	vadd.f32 v5, v1;
	v3 =	vmul.f32 v5, v5;
	_ =	sdelay $0x1  }
0xb6: {  	v2 =	vadd.f32 v3, v2;
	v1 =	vadd.f32 v4, v1;
	v3 =	vmul.f32 v4, v4;
	_ =	sdelay $0x1  }
0xb7: {  	v2 =	vadd.f32 v3, v2;
	v1 =	vadd.f32 v6, v1;
	v3 =	vmul.f32 v6, v6;
	_ =	sdelay $0x1  }
0xb8: {  	v2 =	vadd.f32 v3, v2;
	v1 =	vmul.f32 v1, v1;
	_ =	sdelay $0x1  }
.Ltmp0:
0xb9: {  	v1 =	vsub.f32 v1, v2;
	(pc) =	sbr.rel @p0 .LBB2_2-.Ltmp0, $4  }
0xba: {  	s18 =	sshra.s32 s7, $0x2;
	s7 =	smov.u32 s13  }
0xbb: {  	s0 =	sadd.s32 $0x1A0, s0;
	[tilespmem:s18+$0xEA00] =	vst v1  }
0xbc: {  	v1 =	vld [tilespmem:s0+$0xFFFFFF30]  }
0xbd: {  	s13 =	sadd.s32 $0x40, s13;
	v2 =	vld [tilespmem:s0+$0xFFFFFF40]  }
0xbe: {  	_ = 	snop  }
0xbf: {  	v3 =	vld [tilespmem:s0+$0xFFFFFF50];
	_ =	sdelay $0x1  }
0xc0: {  	v4 =	vld [tilespmem:s0+$0xFFFFFF60]  }
0xc1: {  	v5 =	vmul.f32 v1, v1;
	v1 =	vadd.f32 v2, v1;
	v2 =	vmul.f32 v2, v2  }
0xc2: {  	v6 =	vld [tilespmem:s0+$0xFFFFFF70]  }
0xc3: {  	v2 =	vadd.f32 v2, v5;
	v1 =	vadd.f32 v3, v1;
	v3 =	vmul.f32 v3, v3  }
0xc4: {  	v19 =	vld [tilespmem:s0+$0xFFFFFF80]  }
0xc5: {  	v2 =	vadd.f32 v3, v2;
	v1 =	vadd.f32 v4, v1;
	v3 =	vmul.f32 v4, v4  }
0xc6: {  	v20 =	vld [tilespmem:s0+$0xFFFFFF90]  }
0xc7: {  	v2 =	vadd.f32 v3, v2;
	v1 =	vadd.f32 v6, v1;
	v3 =	vmul.f32 v6, v6  }
0xc8: {  	v21 =	vld [tilespmem:s0+$0xFFFFFFA0]  }
0xc9: {  	v2 =	vadd.f32 v3, v2;
	v1 =	vadd.f32 v19, v1;
	v3 =	vmul.f32 v19, v19  }
0xca: {  	v22 =	vld [tilespmem:s0+$0xFFFFFFB0]  }
0xcb: {  	v2 =	vadd.f32 v3, v2;
	v1 =	vadd.f32 v20, v1;
	v3 =	vmul.f32 v20, v20  }
0xcc: {  	v23 =	vld [tilespmem:s0+$0xFFFFFFC0]  }
0xcd: {  	v2 =	vadd.f32 v3, v2;
	v1 =	vadd.f32 v21, v1;
	v3 =	vmul.f32 v21, v21  }
0xce: {  	v24 =	vld [tilespmem:s0+$0xFFFFFFD0]  }
0xcf: {  	v2 =	vadd.f32 v3, v2;
	v1 =	vadd.f32 v22, v1;
	v3 =	vmul.f32 v22, v22  }
0xd0: {  	v25 =	vld [tilespmem:s0+$0xFFFFFFE0]  }
0xd1: {  	v2 =	vadd.f32 v3, v2;
	v1 =	vadd.f32 v23, v1;
	v3 =	vmul.f32 v23, v23  }
0xd2: {  	v26 =	vld [tilespmem:s0+$0xFFFFFFF0]  }
0xd3: {  	v2 =	vadd.f32 v3, v2;
	v1 =	vadd.f32 v24, v1;
	v3 =	vmul.f32 v24, v24  }
0xd4: {  	v27 =	vld [tilespmem:s0+$0x0]  }
0xd5: {  	v2 =	vadd.f32 v3, v2;
	v1 =	vadd.f32 v25, v1;
	v3 =	vmul.f32 v25, v25  }
0xd6: {  	v28 =	vld [tilespmem:s0+$0x10]  }
0xd7: {  	v2 =	vadd.f32 v3, v2;
	v1 =	vadd.f32 v26, v1;
	v3 =	vmul.f32 v26, v26  }
0xd8: {  	v29 =	vld [tilespmem:s0+$0x20]  }
0xd9: {  	v2 =	vadd.f32 v3, v2;
	v1 =	vadd.f32 v27, v1;
	v3 =	vmul.f32 v27, v27  }
0xda: {  	v30 =	vld [tilespmem:s0+$0x30]  }
0xdb: {  	v2 =	vadd.f32 v3, v2;
	v1 =	vadd.f32 v28, v1;
	v3 =	vmul.f32 v28, v28  }
0xdc: {  	v31 =	vld [tilespmem:s0+$0x40]  }
0xdd: {  	v2 =	vadd.f32 v3, v2;
	v1 =	vadd.f32 v29, v1;
	v3 =	vmul.f32 v29, v29  }
0xde: {  	v32 =	vld [tilespmem:s0+$0x50]  }
0xdf: {  	v2 =	vadd.f32 v3, v2;
	v1 =	vadd.f32 v30, v1;
	v3 =	vmul.f32 v30, v30  }
0xe0: {  	v33 =	vld [tilespmem:s0+$0x60]  }
0xe1: {  	v2 =	vadd.f32 v3, v2;
	v1 =	vadd.f32 v31, v1;
	v3 =	vmul.f32 v31, v31  }
0xe2: {  	v34 =	vld [tilespmem:s0+$0x70]  }
0xe3: {  	v2 =	vadd.f32 v3, v2;
	v1 =	vadd.f32 v32, v1;
	v3 =	vmul.f32 v32, v32  }
0xe4: {  	v35 =	vld [tilespmem:s0+$0x80]  }
0xe5: {  	v2 =	vadd.f32 v3, v2;
	v1 =	vadd.f32 v33, v1;
	v3 =	vmul.f32 v33, v33  }
0xe6: {  	v36 =	vld [tilespmem:s0+$0x90]  }
0xe7: {  	v2 =	vadd.f32 v3, v2;
	v1 =	vadd.f32 v34, v1;
	v3 =	vmul.f32 v34, v34  }
0xe8: {  	v37 =	vld [tilespmem:s0+$0xA0]  }
0xe9: {  	v2 =	vadd.f32 v3, v2;
	v1 =	vadd.f32 v35, v1;
	v3 =	vmul.f32 v35, v35  }
0xea: {  	v38 =	vld [tilespmem:s0+$0xB0]  }
0xeb: {  	v2 =	vadd.f32 v3, v2;
	v1 =	vadd.f32 v36, v1;
	v3 =	vmul.f32 v36, v36  }
0xec: {  	v39 =	vld [tilespmem:s0+$0xC0]  }
0xed: {  	v2 =	vadd.f32 v3, v2;
	v1 =	vadd.f32 v37, v1;
	v3 =	vmul.f32 v37, v37;
	_ =	sdelay $0x1  }
0xee: {  	v2 =	vadd.f32 v3, v2;
	v1 =	vadd.f32 v38, v1;
	v3 =	vmul.f32 v38, v38;
	_ =	sdelay $0x1  }
0xef: {  	v2 =	vadd.f32 v3, v2;
	v1 =	vadd.f32 v39, v1;
	v3 =	vmul.f32 v39, v39;
	_ =	sdelay $0x1  }
0xf0: {  	v2 =	vadd.f32 v3, v2;
	v1 =	vmul.f32 v1, v1;
	_ =	sdelay $0x1  }
0xf1: {  	v1 =	vsub.f32 v1, v2  }
0xf2: {  	s13 =	sshra.s32 s7, $0x2  }
0xf3: {  	[tilespmem:s13+$0xEA00] =	vst v1  }
0xf4: {  	_ =	swait.ge [sflag:s26], $0x6800  }
0xf5: {  	[sflag:s26] =	ssyncset.done $0x0  }
0xf6: {  	[sflag:s26] =	ssyncadd.s32 $0xFFFF9800  }
0xf7: {  	_ =	swait.ge [sflag:s5], $0x680  }
0xf8: {  	[sflag:s5] =	ssyncset.done $0x0  }
0xf9: {  	s18 =	simm.s32 $0x0;
	[sflag:s5] =	ssyncadd.s32 $0xFFFFF980  }
0xfa: {  	v1 =	vld [tilespmem:s18+$0x7500]  }
0xfb: {  	v2 =	vld [tilespmem:s18+$0x7510];
	_ =	sdelay $0x1  }
0xfc: {  	v3 =	vld [tilespmem:s18+$0x7520];
	_ =	sdelay $0x1  }
0xfd: {  	v40 =	vld [tilespmem:s18+$0x7530]  }
0xfe: {  	v41 =	vmul.f32 v1, v1;
	v1 =	vadd.f32 v2, v1;
	v2 =	vmul.f32 v2, v2  }
0xff: {  	v42 =	vld [tilespmem:s18+$0x7540]  }
0x100: {  	v2 =	vadd.f32 v2, v41;
	v1 =	vadd.f32 v3, v1;
	v3 =	vmul.f32 v3, v3  }
0x101: {  	v43 =	vld [tilespmem:s18+$0x7550]  }
0x102: {  	v2 =	vadd.f32 v3, v2;
	v1 =	vadd.f32 v40, v1;
	v3 =	vmul.f32 v40, v40  }
0x103: {  	v44 =	vld [tilespmem:s18+$0x7560]  }
0x104: {  	v2 =	vadd.f32 v3, v2;
	v1 =	vadd.f32 v42, v1;
	v3 =	vmul.f32 v42, v42  }
0x105: {  	v45 =	vld [tilespmem:s18+$0x7570]  }
0x106: {  	v2 =	vadd.f32 v3, v2;
	v1 =	vadd.f32 v43, v1;
	v3 =	vmul.f32 v43, v43  }
0x107: {  	v46 =	vld [tilespmem:s18+$0x7580]  }
0x108: {  	v2 =	vadd.f32 v3, v2;
	v1 =	vadd.f32 v44, v1;
	v3 =	vmul.f32 v44, v44  }
0x109: {  	v47 =	vld [tilespmem:s18+$0x7590]  }
0x10a: {  	v2 =	vadd.f32 v3, v2;
	v1 =	vadd.f32 v45, v1;
	v3 =	vmul.f32 v45, v45  }
0x10b: {  	v48 =	vld [tilespmem:s18+$0x75A0]  }
0x10c: {  	v2 =	vadd.f32 v3, v2;
	v1 =	vadd.f32 v46, v1;
	v3 =	vmul.f32 v46, v46  }
0x10d: {  	v49 =	vld [tilespmem:s18+$0x75B0]  }
0x10e: {  	v2 =	vadd.f32 v3, v2;
	v1 =	vadd.f32 v47, v1;
	v3 =	vmul.f32 v47, v47  }
0x10f: {  	v50 =	vld [tilespmem:s18+$0x75C0]  }
0x110: {  	v2 =	vadd.f32 v3, v2;
	v1 =	vadd.f32 v48, v1;
	v3 =	vmul.f32 v48, v48  }
0x111: {  	v51 =	vld [tilespmem:s18+$0x75D0]  }
0x112: {  	v2 =	vadd.f32 v3, v2;
	v1 =	vadd.f32 v49, v1;
	v3 =	vmul.f32 v49, v49  }
0x113: {  	v52 =	vld [tilespmem:s18+$0x75E0]  }
0x114: {  	v2 =	vadd.f32 v3, v2;
	v1 =	vadd.f32 v50, v1;
	v3 =	vmul.f32 v50, v50  }
0x115: {  	v53 =	vld [tilespmem:s18+$0x75F0]  }
0x116: {  	v2 =	vadd.f32 v3, v2;
	v1 =	vadd.f32 v51, v1;
	v3 =	vmul.f32 v51, v51  }
0x117: {  	v54 =	vld [tilespmem:s18+$0x7600]  }
0x118: {  	v2 =	vadd.f32 v3, v2;
	v1 =	vadd.f32 v52, v1;
	v3 =	vmul.f32 v52, v52  }
0x119: {  	v55 =	vld [tilespmem:s18+$0x7610]  }
0x11a: {  	v2 =	vadd.f32 v3, v2;
	v1 =	vadd.f32 v53, v1;
	v3 =	vmul.f32 v53, v53  }
0x11b: {  	v56 =	vld [tilespmem:s18+$0x7620]  }
0x11c: {  	v2 =	vadd.f32 v3, v2;
	v1 =	vadd.f32 v54, v1;
	v3 =	vmul.f32 v54, v54  }
0x11d: {  	v57 =	vld [tilespmem:s18+$0x7630]  }
0x11e: {  	v2 =	vadd.f32 v3, v2;
	v1 =	vadd.f32 v55, v1;
	v3 =	vmul.f32 v55, v55  }
0x11f: {  	v58 =	vld [tilespmem:s18+$0x7640]  }
0x120: {  	v2 =	vadd.f32 v3, v2;
	v1 =	vadd.f32 v56, v1;
	v3 =	vmul.f32 v56, v56  }
0x121: {  	v59 =	vld [tilespmem:s18+$0x7650]  }
0x122: {  	v2 =	vadd.f32 v3, v2;
	v1 =	vadd.f32 v57, v1;
	v3 =	vmul.f32 v57, v57  }
0x123: {  	v60 =	vld [tilespmem:s18+$0x7660]  }
0x124: {  	v2 =	vadd.f32 v3, v2;
	v1 =	vadd.f32 v58, v1;
	v3 =	vmul.f32 v58, v58  }
0x125: {  	v61 =	vld [tilespmem:s18+$0x7670]  }
0x126: {  	v2 =	vadd.f32 v3, v2;
	v1 =	vadd.f32 v59, v1;
	v3 =	vmul.f32 v59, v59  }
0x127: {  	v62 =	vld [tilespmem:s18+$0x7680]  }
0x128: {  	v2 =	vadd.f32 v3, v2;
	v1 =	vadd.f32 v60, v1;
	v3 =	vmul.f32 v60, v60  }
0x129: {  	v63 =	vld [tilespmem:s18+$0x7690]  }
0x12a: {  	v2 =	vadd.f32 v3, v2;
	v1 =	vadd.f32 v61, v1;
	v3 =	vmul.f32 v61, v61;
	_ =	sdelay $0x1  }
0x12b: {  	v2 =	vadd.f32 v3, v2;
	v1 =	vadd.f32 v62, v1;
	v3 =	vmul.f32 v62, v62;
	_ =	sdelay $0x1  }
0x12c: {  	v2 =	vadd.f32 v3, v2;
	v1 =	vadd.f32 v63, v1;
	v3 =	vmul.f32 v63, v63;
	_ =	sdelay $0x1  }
0x12d: {  	v2 =	vadd.f32 v3, v2;
	v1 =	vmul.f32 v1, v1;
	_ =	sdelay $0x1  }
0x12e: {  	v1 =	vsub.f32 v1, v2  }
0x12f: {  	s7 =	simm.s32 $0xEE00  }
0x130: {  	s13 =	simm.s32 $0x1A0;
	[tilespmem:s7+$0x0] =	vst v1  }
0x131: {  	s0 =	simm.s32 $0x0;
	s18 =	simm.s32 $0xD00;
	v1 =	vld [tilespmem:s13+$0x7500]  }
.LBB2_4:
0x132: {  	p0 =	sne.s32 s18, $0x19980;
	v2 =	vld [tilespmem:s13+$0x7510];
	_ =	sdelay $0x1  }
0x133: {  	v3 =	vld [tilespmem:s13+$0x7520];
	_ =	sdelay $0x1  }
0x134: {  	v4 =	vld [tilespmem:s13+$0x7530]  }
0x135: {  	v5 =	vmul.f32 v1, v1;
	v1 =	vadd.f32 v2, v1;
	v2 =	vmul.f32 v2, v2  }
0x136: {  	v6 =	vld [tilespmem:s13+$0x7540]  }
0x137: {  	v2 =	vadd.f32 v2, v5;
	v1 =	vadd.f32 v3, v1;
	v3 =	vmul.f32 v3, v3  }
0x138: {  	v5 =	vld [tilespmem:s13+$0x7550]  }
0x139: {  	v2 =	vadd.f32 v3, v2;
	v1 =	vadd.f32 v4, v1;
	v3 =	vmul.f32 v4, v4  }
0x13a: {  	v4 =	vld [tilespmem:s13+$0x7560]  }
0x13b: {  	v2 =	vadd.f32 v3, v2;
	v1 =	vadd.f32 v6, v1;
	v3 =	vmul.f32 v6, v6  }
0x13c: {  	v6 =	vld [tilespmem:s13+$0x7570]  }
0x13d: {  	v2 =	vadd.f32 v3, v2;
	v1 =	vadd.f32 v5, v1;
	v3 =	vmul.f32 v5, v5  }
0x13e: {  	v5 =	vld [tilespmem:s13+$0x7580]  }
0x13f: {  	v2 =	vadd.f32 v3, v2;
	v1 =	vadd.f32 v4, v1;
	v3 =	vmul.f32 v4, v4  }
0x140: {  	v4 =	vld [tilespmem:s13+$0x7590]  }
0x141: {  	v2 =	vadd.f32 v3, v2;
	v1 =	vadd.f32 v6, v1;
	v3 =	vmul.f32 v6, v6  }
0x142: {  	v6 =	vld [tilespmem:s13+$0x75A0]  }
0x143: {  	v2 =	vadd.f32 v3, v2;
	v1 =	vadd.f32 v5, v1;
	v3 =	vmul.f32 v5, v5  }
0x144: {  	v5 =	vld [tilespmem:s13+$0x75B0]  }
0x145: {  	v2 =	vadd.f32 v3, v2;
	v1 =	vadd.f32 v4, v1;
	v3 =	vmul.f32 v4, v4  }
0x146: {  	v4 =	vld [tilespmem:s13+$0x75C0]  }
0x147: {  	v2 =	vadd.f32 v3, v2;
	v1 =	vadd.f32 v6, v1;
	v3 =	vmul.f32 v6, v6  }
0x148: {  	v6 =	vld [tilespmem:s13+$0x75D0]  }
0x149: {  	v2 =	vadd.f32 v3, v2;
	v1 =	vadd.f32 v5, v1;
	v3 =	vmul.f32 v5, v5  }
0x14a: {  	v5 =	vld [tilespmem:s13+$0x75E0]  }
0x14b: {  	v2 =	vadd.f32 v3, v2;
	v1 =	vadd.f32 v4, v1;
	v3 =	vmul.f32 v4, v4  }
0x14c: {  	v4 =	vld [tilespmem:s13+$0x75F0]  }
0x14d: {  	v2 =	vadd.f32 v3, v2;
	v1 =	vadd.f32 v6, v1;
	v3 =	vmul.f32 v6, v6  }
0x14e: {  	v6 =	vld [tilespmem:s13+$0x7600]  }
0x14f: {  	v2 =	vadd.f32 v3, v2;
	v1 =	vadd.f32 v5, v1;
	v3 =	vmul.f32 v5, v5  }
0x150: {  	v5 =	vld [tilespmem:s13+$0x7610]  }
0x151: {  	v2 =	vadd.f32 v3, v2;
	v1 =	vadd.f32 v4, v1;
	v3 =	vmul.f32 v4, v4  }
0x152: {  	v4 =	vld [tilespmem:s13+$0x7620]  }
0x153: {  	v2 =	vadd.f32 v3, v2;
	v1 =	vadd.f32 v6, v1;
	v3 =	vmul.f32 v6, v6  }
0x154: {  	v6 =	vld [tilespmem:s13+$0x7630]  }
0x155: {  	v2 =	vadd.f32 v3, v2;
	v1 =	vadd.f32 v5, v1;
	v3 =	vmul.f32 v5, v5  }
0x156: {  	v5 =	vld [tilespmem:s13+$0x7640]  }
0x157: {  	v2 =	vadd.f32 v3, v2;
	v1 =	vadd.f32 v4, v1;
	v3 =	vmul.f32 v4, v4  }
0x158: {  	v4 =	vld [tilespmem:s13+$0x7650]  }
0x159: {  	v2 =	vadd.f32 v3, v2;
	v1 =	vadd.f32 v6, v1;
	v3 =	vmul.f32 v6, v6  }
0x15a: {  	v6 =	vld [tilespmem:s13+$0x7660]  }
0x15b: {  	v2 =	vadd.f32 v3, v2;
	v1 =	vadd.f32 v5, v1;
	v3 =	vmul.f32 v5, v5  }
0x15c: {  	v5 =	vld [tilespmem:s13+$0x7670]  }
0x15d: {  	v2 =	vadd.f32 v3, v2;
	v1 =	vadd.f32 v4, v1;
	v3 =	vmul.f32 v4, v4  }
0x15e: {  	v4 =	vld [tilespmem:s13+$0x7680]  }
0x15f: {  	v2 =	vadd.f32 v3, v2;
	v1 =	vadd.f32 v6, v1;
	v3 =	vmul.f32 v6, v6  }
0x160: {  	v6 =	vld [tilespmem:s13+$0x7690]  }
0x161: {  	v2 =	vadd.f32 v3, v2;
	v1 =	vadd.f32 v5, v1;
	v3 =	vmul.f32 v5, v5;
	_ =	sdelay $0x1  }
0x162: {  	v2 =	vadd.f32 v3, v2;
	v1 =	vadd.f32 v4, v1;
	v3 =	vmul.f32 v4, v4;
	_ =	sdelay $0x1  }
0x163: {  	v2 =	vadd.f32 v3, v2;
	v1 =	vadd.f32 v6, v1;
	v3 =	vmul.f32 v6, v6;
	_ =	sdelay $0x1  }
0x164: {  	v2 =	vadd.f32 v3, v2;
	v1 =	vmul.f32 v1, v1  }
.Ltmp1:
0x165: {  	(pc) =	sbr.rel @p0 .LBB2_4-.Ltmp1, $4  }
0x166: {  	v1 =	vsub.f32 v1, v2  }
0x167: {  	s7 =	sadd.s32 $0x10, s7  }
0x168: {  	s13 =	sshra.s32 s18, $0x2;
	[tilespmem:s7+$0x0] =	vst v1  }
0x169: {  	s18 =	sadd.s32 $0x680, s18;
	v1 =	vld [tilespmem:s13+$0x7500]  }
0x16a: {  	v2 =	vld [tilespmem:s13+$0x7510];
	_ =	sdelay $0x1  }
0x16b: {  	v3 =	vld [tilespmem:s13+$0x7520];
	_ =	sdelay $0x1  }
0x16c: {  	v4 =	vld [tilespmem:s13+$0x7530]  }
0x16d: {  	v5 =	vmul.f32 v1, v1;
	v6 =	vmul.f32 v2, v2;
	v1 =	vadd.f32 v2, v1  }
0x16e: {  	v2 =	vld [tilespmem:s13+$0x7540]  }
0x16f: {  	v5 =	vadd.f32 v6, v5;
	v6 =	vmul.f32 v3, v3;
	v1 =	vadd.f32 v3, v1  }
0x170: {  	v3 =	vld [tilespmem:s13+$0x7550]  }
0x171: {  	v5 =	vadd.f32 v6, v5;
	v6 =	vmul.f32 v4, v4;
	v1 =	vadd.f32 v4, v1  }
0x172: {  	v4 =	vld [tilespmem:s13+$0x7560]  }
0x173: {  	v5 =	vadd.f32 v6, v5;
	v6 =	vmul.f32 v2, v2;
	v1 =	vadd.f32 v2, v1  }
0x174: {  	v2 =	vld [tilespmem:s13+$0x7570]  }
0x175: {  	v5 =	vadd.f32 v6, v5;
	v6 =	vmul.f32 v3, v3;
	v1 =	vadd.f32 v3, v1  }
0x176: {  	v3 =	vld [tilespmem:s13+$0x7580]  }
0x177: {  	v5 =	vadd.f32 v6, v5;
	v6 =	vmul.f32 v4, v4;
	v1 =	vadd.f32 v4, v1  }
0x178: {  	v4 =	vld [tilespmem:s13+$0x7590]  }
0x179: {  	v5 =	vadd.f32 v6, v5;
	v6 =	vmul.f32 v2, v2;
	v1 =	vadd.f32 v2, v1  }
0x17a: {  	v2 =	vld [tilespmem:s13+$0x75A0]  }
0x17b: {  	v5 =	vadd.f32 v6, v5;
	v6 =	vmul.f32 v3, v3;
	v1 =	vadd.f32 v3, v1  }
0x17c: {  	v3 =	vld [tilespmem:s13+$0x75B0]  }
0x17d: {  	v5 =	vadd.f32 v6, v5;
	v6 =	vmul.f32 v4, v4;
	v1 =	vadd.f32 v4, v1  }
0x17e: {  	v4 =	vld [tilespmem:s13+$0x75C0]  }
0x17f: {  	v5 =	vadd.f32 v6, v5;
	v6 =	vmul.f32 v2, v2;
	v1 =	vadd.f32 v2, v1  }
0x180: {  	v2 =	vld [tilespmem:s13+$0x75D0]  }
0x181: {  	v5 =	vadd.f32 v6, v5;
	v6 =	vmul.f32 v3, v3;
	v1 =	vadd.f32 v3, v1  }
0x182: {  	v3 =	vld [tilespmem:s13+$0x75E0]  }
0x183: {  	v5 =	vadd.f32 v6, v5;
	v6 =	vmul.f32 v4, v4;
	v1 =	vadd.f32 v4, v1  }
0x184: {  	v4 =	vld [tilespmem:s13+$0x75F0]  }
0x185: {  	v5 =	vadd.f32 v6, v5;
	v6 =	vmul.f32 v2, v2;
	v1 =	vadd.f32 v2, v1  }
0x186: {  	v2 =	vld [tilespmem:s13+$0x7600]  }
0x187: {  	v5 =	vadd.f32 v6, v5;
	v6 =	vmul.f32 v3, v3;
	v1 =	vadd.f32 v3, v1  }
0x188: {  	v3 =	vld [tilespmem:s13+$0x7610]  }
0x189: {  	v5 =	vadd.f32 v6, v5;
	v6 =	vmul.f32 v4, v4;
	v1 =	vadd.f32 v4, v1  }
0x18a: {  	v4 =	vld [tilespmem:s13+$0x7620]  }
0x18b: {  	v5 =	vadd.f32 v6, v5;
	v6 =	vmul.f32 v2, v2;
	v1 =	vadd.f32 v2, v1  }
0x18c: {  	v2 =	vld [tilespmem:s13+$0x7630]  }
0x18d: {  	v5 =	vadd.f32 v6, v5;
	v6 =	vmul.f32 v3, v3;
	v1 =	vadd.f32 v3, v1  }
0x18e: {  	v3 =	vld [tilespmem:s13+$0x7640]  }
0x18f: {  	v5 =	vadd.f32 v6, v5;
	v6 =	vmul.f32 v4, v4;
	v1 =	vadd.f32 v4, v1  }
0x190: {  	v4 =	vld [tilespmem:s13+$0x7650]  }
0x191: {  	v5 =	vadd.f32 v6, v5;
	v6 =	vmul.f32 v2, v2;
	v1 =	vadd.f32 v2, v1  }
0x192: {  	v2 =	vld [tilespmem:s13+$0x7660]  }
0x193: {  	v5 =	vadd.f32 v6, v5;
	v6 =	vmul.f32 v3, v3;
	v1 =	vadd.f32 v3, v1  }
0x194: {  	v3 =	vld [tilespmem:s13+$0x7670]  }
0x195: {  	v5 =	vadd.f32 v6, v5;
	v6 =	vmul.f32 v4, v4;
	v1 =	vadd.f32 v4, v1  }
0x196: {  	v4 =	vld [tilespmem:s13+$0x7680]  }
0x197: {  	v5 =	vadd.f32 v6, v5;
	v6 =	vmul.f32 v2, v2;
	v1 =	vadd.f32 v2, v1  }
0x198: {  	v2 =	vld [tilespmem:s13+$0x7690]  }
0x199: {  	v5 =	vadd.f32 v6, v5;
	v6 =	vmul.f32 v3, v3;
	v1 =	vadd.f32 v3, v1;
	_ =	sdelay $0x1  }
0x19a: {  	v3 =	vadd.f32 v6, v5;
	v5 =	vmul.f32 v4, v4;
	v1 =	vadd.f32 v4, v1  }
0x19b: {  	v4 =	vor.u32 s0, v0  }
0x19c: {  	v3 =	vadd.f32 v5, v3;
	v1 =	vadd.f32 v2, v1;
	v2 =	vmul.f32 v2, v2  }
0x19d: {  	v5 =	vmul.u32 $0x1A, v4  }
0x19e: {  	v2 =	vadd.f32 v2, v3;
	v1 =	vmul.f32 v1, v1;
	_ =	sdelay $0x1  }
0x19f: {  	v1 =	vsub.f32 v1, v2;
	v2 =	vor.u32 $0x1, v5  }
0x1a0: {  	s7 =	sadd.s32 $0x10, s7  }
0x1a1: {  	[tilespmem:s7+$0x0] =	vst v1;
	v1 =	vadd.s32 $0x2, v5  }
0x1a2: {  	v3 =	vld.idx.msk [tilespmem:v5+s11+$0x0], $0xffff  }
0x1a3: {  	v6 =	vadd.s32 $0x3, v5  }
0x1a4: {  	v2 =	vld.idx.msk [tilespmem:v2+s11+$0x0], $0xffff  }
0x1a5: {  	v7 =	vadd.s32 $0x4, v5  }
0x1a6: {  	v1 =	vld.idx.msk [tilespmem:v1+s11+$0x0], $0xffff  }
0x1a7: {  	v8 =	vadd.s32 $0x5, v5;
	v3 =	vadd.f32 $0.0e+00, v3  }
0x1a8: {  	v6 =	vld.idx.msk [tilespmem:v6+s11+$0x0], $0xffff  }
0x1a9: {  	v9 =	vadd.s32 $0x6, v5;
	v2 =	vadd.f32 v2, v3  }
0x1aa: {  	v3 =	vld.idx.msk [tilespmem:v7+s11+$0x0], $0xffff  }
0x1ab: {  	v7 =	vadd.s32 $0x7, v5;
	v1 =	vadd.f32 v1, v2  }
0x1ac: {  	v49 =	vand.u32 $0xFFE, v5;
	v2 =	vld.idx.msk [tilespmem:v8+s11+$0x0], $0xffff  }
0x1ad: {  	v10 =	vadd.s32 $0x8, v49;
	v1 =	vadd.f32 v6, v1  }
0x1ae: {  	v50 =	vadd.s32 $0x9, v5;
	v6 =	vld.idx.msk [tilespmem:v9+s11+$0x0], $0xffff  }
0x1af: {  	v4 =	vshll.u32 v4, $0x4;
	v1 =	vadd.f32 v3, v1  }
0x1b0: {  	v3 =	vld.idx.msk [tilespmem:v7+s11+$0x0], $0xffff;
	v7 =	vadd.s32 $0xA, v5  }
0x1b1: {  	v11 =	vor.u32 $0x1, v4;
	v1 =	vadd.f32 v2, v1  }
0x1b2: {  	v51 =	vadd.s32 $0xB, v5;
	v2 =	vld.idx.msk [tilespmem:v10+s11+$0x0], $0xffff  }
0x1b3: {  	v12 =	vor.u32 $0x2, v4;
	v9 =	vld.idx.msk [tilespmem:v50+s11+$0x0], $0xffff;
	v1 =	vadd.f32 v6, v1  }
0x1b4: {  	v13 =	vadd.s32 $0xC, v5;
	v6 =	vld.idx.msk [tilespmem:v4+s6+$0x0], $0xffff  }
0x1b5: {  	v14 =	vor.u32 $0x3, v4;
	v7 =	vld.idx.msk [tilespmem:v7+s11+$0x0], $0xffff;
	v1 =	vadd.f32 v3, v1  }
0x1b6: {  	v52 =	vadd.s32 $0xD, v5;
	v3 =	vld.idx.msk [tilespmem:v11+s6+$0x0], $0xffff  }
0x1b7: {  	v15 =	vor.u32 $0x4, v4;
	v10 =	vld.idx.msk [tilespmem:v51+s11+$0x0], $0xffff;
	v1 =	vadd.f32 v2, v1  }
0x1b8: {  	v53 =	vadd.s32 $0xE, v5;
	v2 =	vld.idx.msk [tilespmem:v12+s6+$0x0], $0xffff  }
0x1b9: {  	v16 =	vor.u32 $0x5, v4;
	v13 =	vld.idx.msk [tilespmem:v13+s11+$0x0], $0xffff;
	v6 =	vadd.f32 $0.0e+00, v6;
	v1 =	vadd.f32 v9, v1  }
0x1ba: {  	v55 =	vadd.s32 $0xF, v5;
	v54 =	vld.idx.msk [tilespmem:v14+s6+$0x0], $0xffff  }
0x1bb: {  	v17 =	vor.u32 $0x6, v4;
	v11 =	vld.idx.msk [tilespmem:v52+s11+$0x0], $0xffff;
	v3 =	vadd.f32 v3, v6;
	v1 =	vadd.f32 v7, v1  }
0x1bc: {  	v6 =	vld.idx.msk [tilespmem:v15+s6+$0x0], $0xffff;
	v7 =	vadd.s32 $0x10, v49  }
0x1bd: {  	v56 =	vor.u32 $0x7, v4;
	v12 =	vld.idx.msk [tilespmem:v53+s11+$0x0], $0xffff;
	v2 =	vadd.f32 v2, v3;
	v1 =	vadd.f32 v10, v1  }
0x1be: {  	v57 =	vadd.s32 $0x11, v5;
	v3 =	vld.idx.msk [tilespmem:v16+s6+$0x0], $0xffff  }
0x1bf: {  	v58 =	vor.u32 $0x8, v4;
	v14 =	vld.idx.msk [tilespmem:v55+s11+$0x0], $0xffff;
	v2 =	vadd.f32 v54, v2;
	v1 =	vadd.f32 v13, v1  }
0x1c0: {  	v61 =	vor.u32 $0x9, v4;
	v59 =	vld.idx.msk [tilespmem:v17+s6+$0x0], $0xffff  }
0x1c1: {  	v60 =	vadd.s32 $0x12, v5;
	v7 =	vld.idx.msk [tilespmem:v7+s11+$0x0], $0xffff;
	v2 =	vadd.f32 v6, v2;
	v1 =	vadd.f32 v11, v1  }
0x1c2: {  	v62 =	vadd.s32 $0x13, v5;
	v6 =	vld.idx.msk [tilespmem:v56+s6+$0x0], $0xffff  }
0x1c3: {  	v63 =	vor.u32 $0xA, v4;
	v10 =	vld.idx.msk [tilespmem:v57+s11+$0x0], $0xffff;
	v2 =	vadd.f32 v3, v2;
	v1 =	vadd.f32 v12, v1  }
0x1c4: {  	v20 =	vadd.s32 $0x14, v5;
	v3 =	vld.idx.msk [tilespmem:v58+s6+$0x0], $0xffff  }
0x1c5: {  	v21 =	vor.u32 $0xB, v4;
	v22 =	vld.idx.msk [tilespmem:v61+s6+$0x0], $0xffff;
	v2 =	vadd.f32 v59, v2;
	v1 =	vadd.f32 v14, v1  }
0x1c6: {  	v24 =	vor.u32 $0xC, v4;
	v13 =	vld.idx.msk [tilespmem:v60+s11+$0x0], $0xffff  }
0x1c7: {  	v23 =	vadd.s32 $0x15, v5;
	v11 =	vld.idx.msk [tilespmem:v62+s11+$0x0], $0xffff;
	v2 =	vadd.f32 v6, v2;
	v1 =	vadd.f32 v7, v1  }
0x1c8: {  	v6 =	vld.idx.msk [tilespmem:v63+s6+$0x0], $0xffff;
	v7 =	vadd.s32 $0x16, v5  }
0x1c9: {  	v25 =	vor.u32 $0xD, v4;
	v12 =	vld.idx.msk [tilespmem:v20+s11+$0x0], $0xffff;
	v2 =	vadd.f32 v3, v2;
	v1 =	vadd.f32 v10, v1  }
0x1ca: {  	v26 =	vadd.s32 $0x17, v5;
	v3 =	vld.idx.msk [tilespmem:v21+s6+$0x0], $0xffff  }
0x1cb: {  	v27 =	vor.u32 $0xE, v4;
	v28 =	vld.idx.msk [tilespmem:v24+s6+$0x0], $0xffff;
	v2 =	vadd.f32 v22, v2;
	v1 =	vadd.f32 v13, v1  }
0x1cc: {  	v8 =	vadd.s32 $0x18, v49;
	v14 =	vld.idx.msk [tilespmem:v23+s11+$0x0], $0xffff  }
0x1cd: {  	v4 =	vor.u32 $0xF, v4;
	v7 =	vld.idx.msk [tilespmem:v7+s11+$0x0], $0xffff;
	v2 =	vadd.f32 v6, v2;
	v1 =	vadd.f32 v11, v1  }
0x1ce: {  	v6 =	vld.idx.msk [tilespmem:v25+s6+$0x0], $0xffff  }
0x1cf: {  	v5 =	vadd.s32 $0x19, v5;
	v10 =	vld.idx.msk [tilespmem:v26+s11+$0x0], $0xffff;
	v2 =	vadd.f32 v3, v2;
	v1 =	vadd.f32 v12, v1  }
0x1d0: {  	v3 =	vld.idx.msk [tilespmem:v27+s6+$0x0], $0xffff  }
0x1d1: {  	v8 =	vld.idx.msk [tilespmem:v8+s11+$0x0], $0xffff;
	v2 =	vadd.f32 v28, v2;
	v1 =	vadd.f32 v14, v1  }
0x1d2: {  	v4 =	vld.idx.msk [tilespmem:v4+s6+$0x0], $0xffff  }
0x1d3: {  	v2 =	vadd.f32 v6, v2;
	v1 =	vadd.f32 v7, v1  }
0x1d4: {  	v5 =	vld.idx.msk [tilespmem:v5+s11+$0x0], $0xffff  }
0x1d5: {  	v2 =	vadd.f32 v3, v2;
	v1 =	vadd.f32 v10, v1  }
0x1d6: {  	s13 =	simm.s32 $0x10  }
0x1d7: {  	v3 =	vor.u32 s13, v0;
	v2 =	vadd.f32 v4, v2;
	v1 =	vadd.f32 v8, v1  }
0x1d8: {  	v4 =	vmul.u32 $0x1A, v3  }
0x1d9: {  	v2 =	vmul.f32 $5.000000000e-01, v2;
	v1 =	vadd.f32 v5, v1;
	_ =	sdelay $0x1  }
0x1da: {  	v5 =	vor.u32 $0x1, v4;
	v1 =	vadd.f32 v1, v2  }
0x1db: {  	s7 =	simm.s32 $0xF200  }
0x1dc: {  	v2 =	vadd.s32 $0x2, v4;
	[tilespmem:s7+$0x0] =	vst v1  }
0x1dd: {  	v1 =	vld.idx.msk [tilespmem:v4+s11+$0x0], $0xffff  }
0x1de: {  	v6 =	vadd.s32 $0x3, v4  }
0x1df: {  	v5 =	vld.idx.msk [tilespmem:v5+s11+$0x0], $0xffff  }
0x1e0: {  	v7 =	vadd.s32 $0x4, v4  }
0x1e1: {  	v2 =	vld.idx.msk [tilespmem:v2+s11+$0x0], $0xffff  }
0x1e2: {  	v29 =	vadd.s32 $0x5, v4;
	v1 =	vadd.f32 $0.0e+00, v1  }
0x1e3: {  	v6 =	vld.idx.msk [tilespmem:v6+s11+$0x0], $0xffff  }
0x1e4: {  	v30 =	vadd.s32 $0x6, v4;
	v1 =	vadd.f32 v5, v1  }
0x1e5: {  	v5 =	vld.idx.msk [tilespmem:v7+s11+$0x0], $0xffff  }
0x1e6: {  	v7 =	vadd.s32 $0x7, v4;
	v1 =	vadd.f32 v2, v1  }
0x1e7: {  	v31 =	vand.u32 $0xFFE, v4;
	v2 =	vld.idx.msk [tilespmem:v29+s11+$0x0], $0xffff  }
0x1e8: {  	v32 =	vadd.s32 $0x8, v31;
	v1 =	vadd.f32 v6, v1  }
0x1e9: {  	v33 =	vadd.s32 $0x9, v4;
	v6 =	vld.idx.msk [tilespmem:v30+s11+$0x0], $0xffff  }
0x1ea: {  	v3 =	vshll.u32 v3, $0x4;
	v1 =	vadd.f32 v5, v1  }
0x1eb: {  	v5 =	vld.idx.msk [tilespmem:v7+s11+$0x0], $0xffff;
	v7 =	vadd.s32 $0xA, v4  }
0x1ec: {  	v34 =	vor.u32 $0x1, v3;
	v1 =	vadd.f32 v2, v1  }
0x1ed: {  	v35 =	vadd.s32 $0xB, v4;
	v2 =	vld.idx.msk [tilespmem:v32+s11+$0x0], $0xffff  }
0x1ee: {  	v36 =	vor.u32 $0x2, v3;
	v9 =	vld.idx.msk [tilespmem:v33+s11+$0x0], $0xffff;
	v1 =	vadd.f32 v6, v1  }
0x1ef: {  	v37 =	vadd.s32 $0xC, v4;
	v6 =	vld.idx.msk [tilespmem:v3+s6+$0x0], $0xffff  }
0x1f0: {  	v38 =	vor.u32 $0x3, v3;
	v7 =	vld.idx.msk [tilespmem:v7+s11+$0x0], $0xffff;
	v1 =	vadd.f32 v5, v1  }
0x1f1: {  	v39 =	vadd.s32 $0xD, v4;
	v5 =	vld.idx.msk [tilespmem:v34+s6+$0x0], $0xffff  }
0x1f2: {  	v40 =	vor.u32 $0x4, v3;
	v10 =	vld.idx.msk [tilespmem:v35+s11+$0x0], $0xffff;
	v1 =	vadd.f32 v2, v1  }
0x1f3: {  	v41 =	vadd.s32 $0xE, v4;
	v2 =	vld.idx.msk [tilespmem:v36+s6+$0x0], $0xffff  }
0x1f4: {  	v42 =	vor.u32 $0x5, v3;
	v13 =	vld.idx.msk [tilespmem:v37+s11+$0x0], $0xffff;
	v6 =	vadd.f32 $0.0e+00, v6;
	v1 =	vadd.f32 v9, v1  }
0x1f5: {  	v44 =	vadd.s32 $0xF, v4;
	v43 =	vld.idx.msk [tilespmem:v38+s6+$0x0], $0xffff  }
0x1f6: {  	v45 =	vor.u32 $0x6, v3;
	v11 =	vld.idx.msk [tilespmem:v39+s11+$0x0], $0xffff;
	v5 =	vadd.f32 v5, v6;
	v1 =	vadd.f32 v7, v1  }
0x1f7: {  	v6 =	vld.idx.msk [tilespmem:v40+s6+$0x0], $0xffff;
	v7 =	vadd.s32 $0x10, v31  }
0x1f8: {  	v46 =	vor.u32 $0x7, v3;
	v12 =	vld.idx.msk [tilespmem:v41+s11+$0x0], $0xffff;
	v2 =	vadd.f32 v2, v5;
	v1 =	vadd.f32 v10, v1  }
0x1f9: {  	v47 =	vadd.s32 $0x11, v4;
	v5 =	vld.idx.msk [tilespmem:v42+s6+$0x0], $0xffff  }
0x1fa: {  	v48 =	vor.u32 $0x8, v3;
	v14 =	vld.idx.msk [tilespmem:v44+s11+$0x0], $0xffff;
	v2 =	vadd.f32 v43, v2;
	v1 =	vadd.f32 v13, v1  }
0x1fb: {  	v51 =	vor.u32 $0x9, v3;
	v49 =	vld.idx.msk [tilespmem:v45+s6+$0x0], $0xffff  }
0x1fc: {  	v50 =	vadd.s32 $0x12, v4;
	v7 =	vld.idx.msk [tilespmem:v7+s11+$0x0], $0xffff;
	v2 =	vadd.f32 v6, v2;
	v1 =	vadd.f32 v11, v1  }
0x1fd: {  	v52 =	vadd.s32 $0x13, v4;
	v6 =	vld.idx.msk [tilespmem:v46+s6+$0x0], $0xffff  }
0x1fe: {  	v53 =	vor.u32 $0xA, v3;
	v10 =	vld.idx.msk [tilespmem:v47+s11+$0x0], $0xffff;
	v2 =	vadd.f32 v5, v2;
	v1 =	vadd.f32 v12, v1  }
0x1ff: {  	v54 =	vadd.s32 $0x14, v4;
	v5 =	vld.idx.msk [tilespmem:v48+s6+$0x0], $0xffff  }
0x200: {  	v55 =	vor.u32 $0xB, v3;
	v56 =	vld.idx.msk [tilespmem:v51+s6+$0x0], $0xffff;
	v2 =	vadd.f32 v49, v2;
	v1 =	vadd.f32 v14, v1  }
0x201: {  	v58 =	vor.u32 $0xC, v3;
	v13 =	vld.idx.msk [tilespmem:v50+s11+$0x0], $0xffff  }
0x202: {  	v57 =	vadd.s32 $0x15, v4;
	v11 =	vld.idx.msk [tilespmem:v52+s11+$0x0], $0xffff;
	v2 =	vadd.f32 v6, v2;
	v1 =	vadd.f32 v7, v1  }
0x203: {  	v6 =	vld.idx.msk [tilespmem:v53+s6+$0x0], $0xffff;
	v7 =	vadd.s32 $0x16, v4  }
0x204: {  	v59 =	vor.u32 $0xD, v3;
	v12 =	vld.idx.msk [tilespmem:v54+s11+$0x0], $0xffff;
	v2 =	vadd.f32 v5, v2;
	v1 =	vadd.f32 v10, v1  }
0x205: {  	v60 =	vadd.s32 $0x17, v4;
	v5 =	vld.idx.msk [tilespmem:v55+s6+$0x0], $0xffff  }
0x206: {  	v61 =	vor.u32 $0xE, v3;
	v62 =	vld.idx.msk [tilespmem:v58+s6+$0x0], $0xffff;
	v2 =	vadd.f32 v56, v2;
	v1 =	vadd.f32 v13, v1  }
0x207: {  	v8 =	vadd.s32 $0x18, v31;
	v14 =	vld.idx.msk [tilespmem:v57+s11+$0x0], $0xffff  }
0x208: {  	v3 =	vor.u32 $0xF, v3;
	v7 =	vld.idx.msk [tilespmem:v7+s11+$0x0], $0xffff;
	v2 =	vadd.f32 v6, v2;
	v1 =	vadd.f32 v11, v1  }
0x209: {  	v6 =	vld.idx.msk [tilespmem:v59+s6+$0x0], $0xffff  }
0x20a: {  	v4 =	vadd.s32 $0x19, v4;
	v10 =	vld.idx.msk [tilespmem:v60+s11+$0x0], $0xffff;
	v2 =	vadd.f32 v5, v2;
	v1 =	vadd.f32 v12, v1  }
0x20b: {  	v5 =	vld.idx.msk [tilespmem:v61+s6+$0x0], $0xffff  }
0x20c: {  	v8 =	vld.idx.msk [tilespmem:v8+s11+$0x0], $0xffff;
	v2 =	vadd.f32 v62, v2;
	v1 =	vadd.f32 v14, v1  }
0x20d: {  	v63 =	vld.idx.msk [tilespmem:v3+s6+$0x0], $0xffff  }
0x20e: {  	v2 =	vadd.f32 v6, v2;
	v1 =	vadd.f32 v7, v1  }
0x20f: {  	v3 =	vld.idx.msk [tilespmem:v4+s11+$0x0], $0xffff  }
0x210: {  	v5 =	vadd.f32 v5, v2;
	v1 =	vadd.f32 v10, v1  }
0x211: {  	s18 =	simm.s32 $0x20  }
0x212: {  	s0 =	simm.s32 $0x30;
	v2 =	vor.u32 s18, v0;
	v4 =	vadd.f32 v63, v5;
	v5 =	vadd.f32 v8, v1  }
.LBB2_6:
0x213: {  	p0 =	sne.s32 s0, $0x70;
	v1 =	vmul.u32 $0x1A, v2  }
0x214: {  	v3 =	vadd.f32 v3, v5;
	v4 =	vmul.f32 $5.000000000e-01, v4;
	_ =	sdelay $0x1  }
0x215: {  	v5 =	vor.u32 $0x1, v1;
	v3 =	vadd.f32 v3, v4  }
0x216: {  	s7 =	sadd.s32 $0x10, s7  }
0x217: {  	v4 =	vadd.s32 $0x2, v1;
	[tilespmem:s7+$0x0] =	vst v3  }
0x218: {  	v3 =	vld.idx.msk [tilespmem:v1+s11+$0x0], $0xffff  }
0x219: {  	v6 =	vadd.s32 $0x3, v1  }
0x21a: {  	v5 =	vld.idx.msk [tilespmem:v5+s11+$0x0], $0xffff  }
0x21b: {  	v7 =	vadd.s32 $0x4, v1  }
0x21c: {  	v4 =	vld.idx.msk [tilespmem:v4+s11+$0x0], $0xffff  }
0x21d: {  	v8 =	vadd.s32 $0x5, v1  }
0x21e: {  	v3 =	vadd.f32 $0.0e+00, v3;
	v6 =	vld.idx.msk [tilespmem:v6+s11+$0x0], $0xffff  }
0x21f: {  	v9 =	vadd.s32 $0x6, v1  }
0x220: {  	v3 =	vadd.f32 v5, v3;
	v5 =	vld.idx.msk [tilespmem:v7+s11+$0x0], $0xffff  }
0x221: {  	v7 =	vadd.s32 $0x7, v1  }
0x222: {  	v3 =	vadd.f32 v4, v3;
	v4 =	vld.idx.msk [tilespmem:v8+s11+$0x0], $0xffff;
	v8 =	vand.u32 $0xFFE, v1  }
0x223: {  	v10 =	vadd.s32 $0x8, v8  }
0x224: {  	v3 =	vadd.f32 v6, v3;
	v6 =	vld.idx.msk [tilespmem:v9+s11+$0x0], $0xffff;
	v9 =	vadd.s32 $0x9, v1  }
0x225: {  	v2 =	vshll.u32 v2, $0x4  }
0x226: {  	v3 =	vadd.f32 v5, v3;
	v5 =	vld.idx.msk [tilespmem:v7+s11+$0x0], $0xffff;
	v7 =	vadd.s32 $0xA, v1  }
0x227: {  	v11 =	vor.u32 $0x1, v2  }
0x228: {  	v3 =	vadd.f32 v4, v3;
	v4 =	vld.idx.msk [tilespmem:v10+s11+$0x0], $0xffff;
	v10 =	vadd.s32 $0xB, v1  }
0x229: {  	v12 =	vor.u32 $0x2, v2;
	v9 =	vld.idx.msk [tilespmem:v9+s11+$0x0], $0xffff  }
0x22a: {  	v3 =	vadd.f32 v6, v3;
	v6 =	vadd.s32 $0xC, v1;
	v13 =	vld.idx.msk [tilespmem:v2+s6+$0x0], $0xffff  }
0x22b: {  	v14 =	vor.u32 $0x3, v2;
	v7 =	vld.idx.msk [tilespmem:v7+s11+$0x0], $0xffff  }
0x22c: {  	v3 =	vadd.f32 v5, v3;
	v5 =	vadd.s32 $0xD, v1;
	v11 =	vld.idx.msk [tilespmem:v11+s6+$0x0], $0xffff  }
0x22d: {  	v15 =	vor.u32 $0x4, v2;
	v10 =	vld.idx.msk [tilespmem:v10+s11+$0x0], $0xffff  }
0x22e: {  	v3 =	vadd.f32 v4, v3;
	v4 =	vadd.s32 $0xE, v1;
	v12 =	vld.idx.msk [tilespmem:v12+s6+$0x0], $0xffff  }
0x22f: {  	v16 =	vor.u32 $0x5, v2;
	v6 =	vld.idx.msk [tilespmem:v6+s11+$0x0], $0xffff  }
0x230: {  	v13 =	vadd.f32 $0.0e+00, v13;
	v3 =	vadd.f32 v9, v3;
	v9 =	vadd.s32 $0xF, v1;
	v14 =	vld.idx.msk [tilespmem:v14+s6+$0x0], $0xffff  }
0x231: {  	v17 =	vor.u32 $0x6, v2;
	v5 =	vld.idx.msk [tilespmem:v5+s11+$0x0], $0xffff  }
0x232: {  	v11 =	vadd.f32 v11, v13;
	v3 =	vadd.f32 v7, v3;
	v7 =	vadd.s32 $0x10, v8;
	v13 =	vld.idx.msk [tilespmem:v15+s6+$0x0], $0xffff  }
0x233: {  	v15 =	vor.u32 $0x7, v2;
	v4 =	vld.idx.msk [tilespmem:v4+s11+$0x0], $0xffff  }
0x234: {  	v11 =	vadd.f32 v12, v11;
	v3 =	vadd.f32 v10, v3;
	v10 =	vadd.s32 $0x11, v1;
	v12 =	vld.idx.msk [tilespmem:v16+s6+$0x0], $0xffff  }
0x235: {  	v16 =	vor.u32 $0x8, v2;
	v9 =	vld.idx.msk [tilespmem:v9+s11+$0x0], $0xffff  }
0x236: {  	v11 =	vadd.f32 v14, v11;
	v3 =	vadd.f32 v6, v3;
	v6 =	vadd.s32 $0x12, v1;
	v14 =	vld.idx.msk [tilespmem:v17+s6+$0x0], $0xffff  }
0x237: {  	v17 =	vor.u32 $0x9, v2;
	v7 =	vld.idx.msk [tilespmem:v7+s11+$0x0], $0xffff  }
0x238: {  	v11 =	vadd.f32 v13, v11;
	v3 =	vadd.f32 v5, v3;
	v5 =	vadd.s32 $0x13, v1;
	v13 =	vld.idx.msk [tilespmem:v15+s6+$0x0], $0xffff  }
0x239: {  	v15 =	vor.u32 $0xA, v2;
	v10 =	vld.idx.msk [tilespmem:v10+s11+$0x0], $0xffff  }
0x23a: {  	v11 =	vadd.f32 v12, v11;
	v3 =	vadd.f32 v4, v3;
	v4 =	vadd.s32 $0x14, v1;
	v12 =	vld.idx.msk [tilespmem:v16+s6+$0x0], $0xffff  }
0x23b: {  	v16 =	vor.u32 $0xB, v2;
	v6 =	vld.idx.msk [tilespmem:v6+s11+$0x0], $0xffff  }
0x23c: {  	v11 =	vadd.f32 v14, v11;
	v3 =	vadd.f32 v9, v3;
	v9 =	vadd.s32 $0x15, v1;
	v14 =	vld.idx.msk [tilespmem:v17+s6+$0x0], $0xffff  }
0x23d: {  	v17 =	vor.u32 $0xC, v2;
	v5 =	vld.idx.msk [tilespmem:v5+s11+$0x0], $0xffff  }
0x23e: {  	v11 =	vadd.f32 v13, v11;
	v3 =	vadd.f32 v7, v3;
	v7 =	vadd.s32 $0x16, v1;
	v13 =	vld.idx.msk [tilespmem:v15+s6+$0x0], $0xffff  }
0x23f: {  	v15 =	vor.u32 $0xD, v2;
	v4 =	vld.idx.msk [tilespmem:v4+s11+$0x0], $0xffff  }
0x240: {  	v11 =	vadd.f32 v12, v11;
	v3 =	vadd.f32 v10, v3;
	v10 =	vadd.s32 $0x17, v1;
	v12 =	vld.idx.msk [tilespmem:v16+s6+$0x0], $0xffff  }
0x241: {  	v16 =	vor.u32 $0xE, v2;
	v9 =	vld.idx.msk [tilespmem:v9+s11+$0x0], $0xffff  }
0x242: {  	v11 =	vadd.f32 v14, v11;
	v3 =	vadd.f32 v6, v3;
	v6 =	vadd.s32 $0x18, v8;
	v14 =	vld.idx.msk [tilespmem:v17+s6+$0x0], $0xffff  }
0x243: {  	v2 =	vor.u32 $0xF, v2;
	v7 =	vld.idx.msk [tilespmem:v7+s11+$0x0], $0xffff  }
0x244: {  	v8 =	vadd.f32 v13, v11;
	v3 =	vadd.f32 v5, v3;
	v11 =	vld.idx.msk [tilespmem:v15+s6+$0x0], $0xffff  }
0x245: {  	v1 =	vadd.s32 $0x19, v1;
	v5 =	vld.idx.msk [tilespmem:v10+s11+$0x0], $0xffff  }
0x246: {  	v8 =	vadd.f32 v12, v8;
	v3 =	vadd.f32 v4, v3;
	v10 =	vld.idx.msk [tilespmem:v16+s6+$0x0], $0xffff  }
0x247: {  	v6 =	vld.idx.msk [tilespmem:v6+s11+$0x0], $0xffff  }
0x248: {  	v4 =	vadd.f32 v14, v8;
	v8 =	vld.idx.msk [tilespmem:v2+s6+$0x0], $0xffff;
	v2 =	vadd.f32 v9, v3;
	_ =	sdelay $0x1  }
.Ltmp2:
0x249: {  	v4 =	vadd.f32 v11, v4;
	v2 =	vadd.f32 v7, v2;
	v3 =	vld.idx.msk [tilespmem:v1+s11+$0x0], $0xffff;
	(pc) =	sbr.rel @p0 .LBB2_6-.Ltmp2, $3  }
0x24a: {  	_ = 	snop  }
0x24b: {  	v1 =	vadd.f32 v10, v4;
	v5 =	vadd.f32 v5, v2;
	_ =	sdelay $0x1  }
0x24c: {  	v2 =	vor.u32 s0, v0;
	s0 =	sadd.s32 $0x10, s0;
	v4 =	vadd.f32 v8, v1;
	v5 =	vadd.f32 v6, v5  }
0x24d: {  	v1 =	vmul.u32 $0x1A, v2  }
0x24e: {  	v3 =	vadd.f32 v3, v5;
	v4 =	vmul.f32 $5.000000000e-01, v4;
	_ =	sdelay $0x1  }
0x24f: {  	v18 =	vor.u32 $0x1, v1;
	v3 =	vadd.f32 v3, v4  }
0x250: {  	s0 =	sadd.s32 $0x10, s7  }
0x251: {  	v19 =	vadd.s32 $0x2, v1;
	[tilespmem:s0+$0x0] =	vst v3  }
0x252: {  	v3 =	vld.idx.msk [tilespmem:v1+s11+$0x0], $0xffff  }
0x253: {  	v6 =	vadd.s32 $0x3, v1  }
0x254: {  	v5 =	vld.idx.msk [tilespmem:v18+s11+$0x0], $0xffff  }
0x255: {  	v7 =	vadd.s32 $0x4, v1  }
0x256: {  	v4 =	vld.idx.msk [tilespmem:v19+s11+$0x0], $0xffff  }
0x257: {  	v8 =	vadd.s32 $0x5, v1;
	v3 =	vadd.f32 $0.0e+00, v3  }
0x258: {  	v6 =	vld.idx.msk [tilespmem:v6+s11+$0x0], $0xffff  }
0x259: {  	v9 =	vadd.s32 $0x6, v1;
	v3 =	vadd.f32 v5, v3  }
0x25a: {  	v20 =	vld.idx.msk [tilespmem:v7+s11+$0x0], $0xffff  }
0x25b: {  	v21 =	vadd.s32 $0x7, v1;
	v3 =	vadd.f32 v4, v3  }
0x25c: {  	v23 =	vand.u32 $0xFFE, v1;
	v22 =	vld.idx.msk [tilespmem:v8+s11+$0x0], $0xffff  }
0x25d: {  	v10 =	vadd.s32 $0x8, v23;
	v3 =	vadd.f32 v6, v3  }
0x25e: {  	v2 =	vshll.u32 v2, $0x4;
	v24 =	vld.idx.msk [tilespmem:v9+s11+$0x0], $0xffff  }
0x25f: {  	v25 =	vadd.s32 $0x9, v1;
	v3 =	vadd.f32 v20, v3  }
0x260: {  	v11 =	vor.u32 $0x1, v2;
	v26 =	vld.idx.msk [tilespmem:v21+s11+$0x0], $0xffff  }
0x261: {  	v27 =	vadd.s32 $0xA, v1;
	v3 =	vadd.f32 v22, v3  }
0x262: {  	v12 =	vor.u32 $0x2, v2;
	v28 =	vld.idx.msk [tilespmem:v10+s11+$0x0], $0xffff  }
0x263: {  	v29 =	vadd.s32 $0xB, v1;
	v30 =	vld.idx.msk [tilespmem:v2+s6+$0x0], $0xffff;
	v3 =	vadd.f32 v24, v3  }
0x264: {  	v14 =	vor.u32 $0x3, v2;
	v9 =	vld.idx.msk [tilespmem:v25+s11+$0x0], $0xffff  }
0x265: {  	v13 =	vadd.s32 $0xC, v1;
	v31 =	vld.idx.msk [tilespmem:v11+s6+$0x0], $0xffff;
	v3 =	vadd.f32 v26, v3  }
0x266: {  	v15 =	vor.u32 $0x4, v2;
	v7 =	vld.idx.msk [tilespmem:v27+s11+$0x0], $0xffff  }
0x267: {  	v32 =	vadd.s32 $0xD, v1;
	v33 =	vld.idx.msk [tilespmem:v12+s6+$0x0], $0xffff;
	v3 =	vadd.f32 v28, v3  }
0x268: {  	v16 =	vor.u32 $0x5, v2;
	v10 =	vld.idx.msk [tilespmem:v29+s11+$0x0], $0xffff  }
0x269: {  	v34 =	vadd.s32 $0xE, v1;
	v35 =	vld.idx.msk [tilespmem:v14+s6+$0x0], $0xffff;
	v6 =	vadd.f32 $0.0e+00, v30;
	v3 =	vadd.f32 v9, v3  }
0x26a: {  	v17 =	vor.u32 $0x6, v2;
	v13 =	vld.idx.msk [tilespmem:v13+s11+$0x0], $0xffff  }
0x26b: {  	v36 =	vadd.s32 $0xF, v1;
	v37 =	vld.idx.msk [tilespmem:v15+s6+$0x0], $0xffff;
	v5 =	vadd.f32 v31, v6;
	v3 =	vadd.f32 v7, v3  }
0x26c: {  	v39 =	vor.u32 $0x7, v2;
	v11 =	vld.idx.msk [tilespmem:v32+s11+$0x0], $0xffff  }
0x26d: {  	v38 =	vadd.s32 $0x10, v23;
	v40 =	vld.idx.msk [tilespmem:v16+s6+$0x0], $0xffff;
	v4 =	vadd.f32 v33, v5;
	v3 =	vadd.f32 v10, v3  }
0x26e: {  	v42 =	vor.u32 $0x8, v2;
	v12 =	vld.idx.msk [tilespmem:v34+s11+$0x0], $0xffff  }
0x26f: {  	v41 =	vadd.s32 $0x11, v1;
	v43 =	vld.idx.msk [tilespmem:v17+s6+$0x0], $0xffff;
	v4 =	vadd.f32 v35, v4;
	v3 =	vadd.f32 v13, v3  }
0x270: {  	v45 =	vor.u32 $0x9, v2;
	v14 =	vld.idx.msk [tilespmem:v36+s11+$0x0], $0xffff  }
0x271: {  	v44 =	vadd.s32 $0x12, v1;
	v46 =	vld.idx.msk [tilespmem:v39+s6+$0x0], $0xffff;
	v4 =	vadd.f32 v37, v4;
	v3 =	vadd.f32 v11, v3  }
0x272: {  	v48 =	vor.u32 $0xA, v2;
	v7 =	vld.idx.msk [tilespmem:v38+s11+$0x0], $0xffff  }
0x273: {  	v47 =	vadd.s32 $0x13, v1;
	v49 =	vld.idx.msk [tilespmem:v42+s6+$0x0], $0xffff;
	v4 =	vadd.f32 v40, v4;
	v3 =	vadd.f32 v12, v3  }
0x274: {  	v51 =	vor.u32 $0xB, v2;
	v10 =	vld.idx.msk [tilespmem:v41+s11+$0x0], $0xffff  }
0x275: {  	v50 =	vadd.s32 $0x14, v1;
	v52 =	vld.idx.msk [tilespmem:v45+s6+$0x0], $0xffff;
	v4 =	vadd.f32 v43, v4;
	v3 =	vadd.f32 v14, v3  }
0x276: {  	v54 =	vor.u32 $0xC, v2;
	v13 =	vld.idx.msk [tilespmem:v44+s11+$0x0], $0xffff  }
0x277: {  	v53 =	vadd.s32 $0x15, v1;
	v55 =	vld.idx.msk [tilespmem:v48+s6+$0x0], $0xffff;
	v4 =	vadd.f32 v46, v4;
	v3 =	vadd.f32 v7, v3  }
0x278: {  	v57 =	vor.u32 $0xD, v2;
	v11 =	vld.idx.msk [tilespmem:v47+s11+$0x0], $0xffff  }
0x279: {  	v56 =	vadd.s32 $0x16, v1;
	v58 =	vld.idx.msk [tilespmem:v51+s6+$0x0], $0xffff;
	v4 =	vadd.f32 v49, v4;
	v3 =	vadd.f32 v10, v3  }
0x27a: {  	v60 =	vor.u32 $0xE, v2;
	v12 =	vld.idx.msk [tilespmem:v50+s11+$0x0], $0xffff  }
0x27b: {  	v59 =	vadd.s32 $0x17, v1;
	v61 =	vld.idx.msk [tilespmem:v54+s6+$0x0], $0xffff;
	v4 =	vadd.f32 v52, v4;
	v3 =	vadd.f32 v13, v3  }
0x27c: {  	v2 =	vor.u32 $0xF, v2;
	v14 =	vld.idx.msk [tilespmem:v53+s11+$0x0], $0xffff  }
0x27d: {  	v62 =	vld.idx.msk [tilespmem:v57+s6+$0x0], $0xffff;
	v8 =	vadd.s32 $0x18, v23;
	v4 =	vadd.f32 v55, v4;
	v3 =	vadd.f32 v11, v3  }
0x27e: {  	v7 =	vld.idx.msk [tilespmem:v56+s11+$0x0], $0xffff  }
0x27f: {  	v1 =	vadd.s32 $0x19, v1;
	v63 =	vld.idx.msk [tilespmem:v60+s6+$0x0], $0xffff;
	v4 =	vadd.f32 v58, v4;
	v3 =	vadd.f32 v12, v3  }
0x280: {  	v10 =	vld.idx.msk [tilespmem:v59+s11+$0x0], $0xffff  }
0x281: {  	v2 =	vld.idx.msk [tilespmem:v2+s6+$0x0], $0xffff;
	v4 =	vadd.f32 v61, v4;
	v3 =	vadd.f32 v14, v3  }
0x282: {  	v8 =	vld.idx.msk [tilespmem:v8+s11+$0x0], $0xffff  }
0x283: {  	v4 =	vadd.f32 v62, v4;
	v3 =	vadd.f32 v7, v3  }
0x284: {  	v1 =	vld.idx.msk [tilespmem:v1+s11+$0x0], $0xffff  }
0x285: {  	v4 =	vadd.f32 v63, v4;
	v3 =	vadd.f32 v10, v3;
	_ =	sdelay $0x1  }
0x286: {  	v2 =	vadd.f32 v2, v4;
	v3 =	vadd.f32 v8, v3;
	_ =	sdelay $0x1  }
0x287: {  	v2 =	vmul.f32 $5.000000000e-01, v2;
	v1 =	vadd.f32 v1, v3;
	_ =	sdelay $0x1  }
0x288: {  	v1 =	vadd.f32 v1, v2  }
0x289: {  	s0 =	sadd.s32 $0x10, s0  }
0x28a: {  	s7 =	rddreg [dreg:$0x5];
	s13 =	simm.s32 $0xF200;
	[tilespmem:s0+$0x0] =	vst v1  }
0x28b: {  	[hbm4b:s7+s3] =	stream.linear.scatter [tilespmem:s13], [sflag:$0x5], $0x80, $0x38;
	[tilespmem:$0xF280] =	vst v63  }
0x28c: {  	_ =	swait.ge [sflag:s8], $0x80  }
0x28d: {  	s30 =	sadd.s32 $0x1, s30;
	s18 =	rddreg [dreg:$0x6]  }
0x28e: {  	p0 =	sne.s32 s30, s18  }
.Ltmp3:
0x28f: {  	_ = 	snop;
	(pc) =	sbr.rel @p0 .LBB2_1-.Ltmp3, $3  }
0x290: {  	_ =	sdelay $0x1  }
0x291: {  	[sflag:s8] =	ssyncset.done $0x0  }
0x292: {  	[sflag:s8] =	ssyncadd.s32 $0xFFFFFF80  }
0x293: {  	_ =	sfence.sel $0x180000  }
0x294: {  	[bflag:$0x0] =	sbarrier.arrive $0xFFFF  }
0x295: {  	_ =	strace $0x90000047  }
0x296: {  	s0 =	stileid.u32;
	[bflag:$0x2] =	sbarrier.arrive $0xFFFF  }
0x297: {  	p0 =	sne.s32 s0, $0x0;
	s0 =	rddreg [dreg:$0x3]  }
0x298: {  	s0 =	sadd.s32 @!p0 $0x100000, s0  }
0x299: {  	[sflag:s0] =	ssyncadd.tile.s32 @!p0 $0x1;
	_ =	shalt  }
.Lfunc_end2:
_tile_overlayer_lowered:
.L_overlay_start_2:
0x29a: {  	(tag) =	ssettag $0x2  }
0x29b: {  	s0 =	rddreg [dreg:$0x0];
	s2 =	stileid.u32  }
0x29c: {  	s1 =	rddreg [dreg:$0x1];
	p0 =	sne.s32 s2, $0x0  }
0x29d: {  	s3 =	rddreg [dreg:$0x2];
	[bflag:$0x3] =	sbarrier.arrive $0xFFFF;
	s2 =	simm.s32 @!p0 $0x1C05  }
0x29e: {  	[timem:s3], [sflag:s2] =	dma.local @!p0 [hbm:s0], s1  }
0x29f: {  	s0 =	simm.s32 @!p0 $0x5  }
0x2a0: {  	_ =	swait.ge @!p0 [sflag:s0], s1  }
0x2a1: {  	s1 =	ssub.s32 @!p0 $0x0, s1;
	[sflag:s0] =	ssyncset.done @!p0 $0x0  }
0x2a2: {  	[sflag:s0] =	ssyncadd.s32 @!p0 s1  }
0x2a3: {  	[bflag:$0x3] =	sbarrier.arrive $0xFFFF  }
0x2a4: {  	_ =	shalt  }

</sc_bundles>
